<compile_context>
chip_gen: v7x
topology: tpu7x:2x2x1
jax: 0.10.2.dev20260603
libtpu: 0.0.44.dev20260713+nightly
codegen_flags: <defaults>
</compile_context>

<pallas_src>
import functools

import jax
import jax.numpy as jnp
from jax import lax
from jax.experimental import pallas as pl
from jax.experimental.pallas import tpu as pltpu
from jax.experimental.pallas import tpu_sc as plsc

N = 10000
E = 320000
D = 128

NC = 2
NS = 16
NW = NC * NS
CW = 128

BLK = 128
NBUF = 2
TBLK = 2560
E_PAD = TBLK * BLK
NB0 = 32
NB1 = 128
NBLK_C = 80
N_PAD = 10112
ZROWS = N_PAD // NS

_sc_mesh = plsc.VectorSubcoreMesh(core_axis_name="c", subcore_axis_name="s")


@functools.partial(
    pl.kernel,
    out_type=jax.ShapeDtypeStruct((NC, N_PAD, D), jnp.float32),
    mesh=_sc_mesh,
    scratch_types=[
        pltpu.VMEM((NB1, BLK), jnp.int32),
        *[pltpu.VMEM((BLK,), jnp.int32) for _ in range(NBUF)],
        *[pltpu.VMEM((BLK, D), jnp.float32) for _ in range(NBUF)],
        pltpu.VMEM_SHARED((N_PAD, D), jnp.float32),
        *[pltpu.SemaphoreType.DMA for _ in range(NBUF)],
    ],
)
def _sc_segsum(t_hbm, src_hbm, dst0_hbm, dst1_hbm, zf_hbm, out_hbm, dst_v,
               i0_v, i1_v, r0_v, r1_v, acc_s, s0, s1):
    idx = [i0_v, i1_v]
    rows = [r0_v, r1_v]
    sems = [s0, s1]
    c = lax.axis_index("c")
    s = lax.axis_index("s")
    pltpu.sync_copy(zf_hbm, acc_s.at[pl.ds(s * ZROWS, ZROWS)])

    def work(nblk, base_blk, dref):
        pltpu.sync_copy(dref, dst_v)
        base = base_blk * BLK

        for b in range(NBUF):
            pltpu.sync_copy(src_hbm.at[pl.ds(base + b * BLK, BLK)], idx[b])
            pltpu.async_copy(t_hbm.at[idx[b]], rows[b], sems[b])

        @pl.loop(0, nblk // NBUF - 1)
        def _(g):
            i = g * NBUF
            for b in range(NBUF):
                j = i + b
                pltpu.make_async_copy(t_hbm.at[idx[b]], rows[b],
                                      sems[b]).wait()
                pltpu.sync_copy(rows[b], acc_s.at[dst_v.at[j]], add=True)
                pltpu.sync_copy(
                    src_hbm.at[pl.ds(base + (j + NBUF) * BLK, BLK)], idx[b])
                pltpu.async_copy(t_hbm.at[idx[b]], rows[b], sems[b])

        for b in range(NBUF):
            j = nblk - NBUF + b
            pltpu.make_async_copy(t_hbm.at[idx[b]], rows[b], sems[b]).wait()
            pltpu.sync_copy(rows[b], acc_s.at[dst_v.at[j]], add=True)

    @pl.when(c == 0)
    def _():
        work(NB0, s * NB0, dst0_hbm.at[s])

    @pl.when(c == 1)
    def _():
        work(NB1, NS * NB0 + s * NB1, dst1_hbm.at[s])

    plsc.subcore_barrier()
    pltpu.sync_copy(acc_s.at[pl.ds(s * ZROWS, ZROWS)],
                    out_hbm.at[c, pl.ds(s * ZROWS, ZROWS)])


@functools.partial(
    pl.kernel,
    out_type=jax.ShapeDtypeStruct((NC, N_PAD, CW), jnp.float32),
    mesh=_sc_mesh,
    scratch_types=[
        pltpu.VMEM((NBLK_C, BLK), jnp.int32),
        pltpu.VMEM((BLK, CW), jnp.float32),
        pltpu.VMEM_SHARED((N_PAD, CW), jnp.float32),
    ],
)
def _sc_counts(dst_hbm, zc_hbm, ones_hbm, outc_hbm, dst_v, ones_v, accc_s):
    c = lax.axis_index("c")
    s = lax.axis_index("s")
    wid = c * NS + s
    pltpu.sync_copy(zc_hbm, accc_s.at[pl.ds(s * ZROWS, ZROWS)])
    pltpu.sync_copy(ones_hbm, ones_v)
    pltpu.sync_copy(dst_hbm.at[pl.ds(wid * NBLK_C, NBLK_C)], dst_v)
    plsc.subcore_barrier()

    @pl.loop(0, NBLK_C)
    def _(i):
        pltpu.sync_copy(ones_v, accc_s.at[dst_v.at[i]], add=True)

    plsc.subcore_barrier()
    pltpu.sync_copy(accc_s.at[pl.ds(s * ZROWS, ZROWS)],
                    outc_hbm.at[c, pl.ds(s * ZROWS, ZROWS)])


_PREC = lax.Precision.HIGHEST


def _pre_body(x_ref, wl_ref, wr_ref, b_ref, t_ref, r_ref):
    x = x_ref[...]
    t_ref[...] = jnp.dot(x, wl_ref[...], preferred_element_type=jnp.float32,
                         precision=_PREC)
    r_ref[...] = jnp.dot(x, wr_ref[...], preferred_element_type=jnp.float32,
                         precision=_PREC) + b_ref[...]


def _mid1_body(p_ref, cp_ref, r0_ref, h_ref, mu_ref, var_ref):
    cnt = cp_ref[0, :N, :1] + cp_ref[1, :N, :1]
    inv = 1.0 / jnp.maximum(cnt, 1.0)
    h = (p_ref[0, :N] + p_ref[1, :N]) * inv + r0_ref[...]
    mu = jnp.mean(h, axis=0, keepdims=True)
    var = jnp.mean((h - mu) * (h - mu), axis=0, keepdims=True)
    h_ref[...] = h
    mu_ref[...] = jnp.broadcast_to(mu, (8, D))
    var_ref[...] = jnp.broadcast_to(var, (8, D))


def _mid2_body(h_ref, mu_ref, var_ref, g_ref, bt_ref, wl1_ref, wr1_ref,
               b1_ref, t1_ref, r1_ref):
    mu = mu_ref[:1, :]
    var = var_ref[:1, :]
    hn = (h_ref[...] - mu) * lax.rsqrt(var + 1e-5) * g_ref[...] + bt_ref[...]
    h2 = jnp.maximum(hn, 0.0)
    t1_ref[...] = jnp.dot(h2, wl1_ref[...], preferred_element_type=jnp.float32,
                          precision=_PREC)
    r1_ref[...] = jnp.dot(h2, wr1_ref[...], preferred_element_type=jnp.float32,
                          precision=_PREC) + b1_ref[...]


def _fin_body(q_ref, cp_ref, r1_ref, o_ref):
    cnt = cp_ref[0, :N, :1] + cp_ref[1, :N, :1]
    inv = 1.0 / jnp.maximum(cnt, 1.0)
    o_ref[...] = (q_ref[0, :N] + q_ref[1, :N]) * inv + r1_ref[...]


def kernel(x, edge_index, W_l0, b_l0, W_r0, gamma, beta, W_l1, b_l1, W_r1):
    src = edge_index[0]
    dst = edge_index[1]
    pad = E_PAD - E
    src_p = jnp.concatenate([src, jnp.zeros((pad,), jnp.int32)])
    dst_p = jnp.concatenate([dst, jnp.full((pad,), N, jnp.int32)])
    dst_f = dst_p.reshape(TBLK, BLK)
    dst0 = jnp.concatenate(
        [dst_f[:NS * NB0].reshape(NS, NB0, BLK),
         jnp.full((NS, NB1 - NB0, BLK), N, jnp.int32)], axis=1)
    dst1 = dst_f[NS * NB0:].reshape(NS, NB1, BLK)
    dst_p = dst_f

    zf = jnp.zeros((ZROWS, D), jnp.float32)
    zc = jnp.zeros((ZROWS, CW), jnp.float32)
    ones = jnp.ones((BLK, CW), jnp.float32)

    f32 = jnp.float32
    t0, r0 = pl.pallas_call(
        _pre_body,
        out_shape=(jax.ShapeDtypeStruct((N, D), f32),
                   jax.ShapeDtypeStruct((N, D), f32)),
    )(x, W_l0, W_r0, b_l0.reshape(1, D))

    cp = _sc_counts(dst_p, zc, ones)
    p0 = _sc_segsum(t0, src_p, dst0, dst1, zf)

    h, mu, var = pl.pallas_call(
        _mid1_body,
        out_shape=(jax.ShapeDtypeStruct((N, D), f32),
                   jax.ShapeDtypeStruct((8, D), f32),
                   jax.ShapeDtypeStruct((8, D), f32)),
    )(p0, cp, r0)

    t1, r1 = pl.pallas_call(
        _mid2_body,
        out_shape=(jax.ShapeDtypeStruct((N, D), f32),
                   jax.ShapeDtypeStruct((N, D), f32)),
    )(h, mu, var, gamma.reshape(1, D), beta.reshape(1, D), W_l1, W_r1,
      b_l1.reshape(1, D))

    q1 = _sc_segsum(t1, src_p, dst0, dst1, zf)

    out = pl.pallas_call(
        _fin_body,
        out_shape=jax.ShapeDtypeStruct((N, D), f32),
    )(q1, cp, r1)
    return out

# --- scband reference (transcript-rebuilt; emitter-appended) ---
"""Pipeline reference for scband-graph-sageencoder-11836929868658 (READ-ONLY COPY).

The authoritative reference and input builder live on the scoring server;
editing this copy changes nothing except your own understanding.
"""

import jax, jax.numpy as jnp
import numpy as np

N_NODES = 10000
N_EDGES = 320000
D_FEAT = 128
HIDDEN = 128
OUT = 128


def setup_inputs(seed: int = 0) -> dict:
    key = jax.random.key(seed)
    ks = jax.random.split(key, 12)
    x = jax.random.normal(ks[0], (N_NODES, D_FEAT), dtype=jnp.float32)
    edge_index = jax.random.randint(ks[1], (2, N_EDGES), 0, N_NODES, dtype=jnp.int64 if jax.config.jax_enable_x64 else jnp.int32).astype(jnp.int32)
    # SAGEConv layer 0: lin_l (neighbor agg, with bias), lin_r (root, no bias)
    s0 = 1.0 / np.sqrt(D_FEAT)
    W_l0 = jax.random.uniform(ks[2], (D_FEAT, HIDDEN), minval=-s0, maxval=s0, dtype=jnp.float32)
    b_l0 = jax.random.uniform(ks[3], (HIDDEN,), minval=-s0, maxval=s0, dtype=jnp.float32)
    W_r0 = jax.random.uniform(ks[4], (D_FEAT, HIDDEN), minval=-s0, maxval=s0, dtype=jnp.float32)
    # BatchNorm params
    gamma = jnp.ones((HIDDEN,), dtype=jnp.float32)
    beta = jnp.zeros((HIDDEN,), dtype=jnp.float32)
    # SAGEConv layer 1
    s1 = 1.0 / np.sqrt(HIDDEN)
    W_l1 = jax.random.uniform(ks[5], (HIDDEN, OUT), minval=-s1, maxval=s1, dtype=jnp.float32)
    b_l1 = jax.random.uniform(ks[6], (HIDDEN,), minval=-s1, maxval=s1, dtype=jnp.float32)[:OUT]
    W_r1 = jax.random.uniform(ks[7], (HIDDEN, OUT), minval=-s1, maxval=s1, dtype=jnp.float32)
    return {"x": x, "edge_index": edge_index, "W_l0": W_l0, "b_l0": b_l0, "W_r0": W_r0,
            "gamma": gamma, "beta": beta, "W_l1": W_l1, "b_l1": b_l1, "W_r1": W_r1}


def _sage_conv(x, edge_index, W_l, b_l, W_r, num_nodes):
    src = edge_index[0]
    dst = edge_index[1]
    msgs = jnp.take(x, src, axis=0)
    agg = jax.ops.segment_sum(msgs, dst, num_segments=num_nodes)
    cnt = jax.ops.segment_sum(jnp.ones((msgs.shape[0],), dtype=x.dtype), dst, num_segments=num_nodes)
    mean = agg / jnp.clip(cnt, 1.0)[:, None]
    return mean @ W_l + b_l + x @ W_r


def _batch_norm(h, gamma, beta, eps=1e-5):
    mu = jnp.mean(h, axis=0, keepdims=True)
    var = jnp.var(h, axis=0, keepdims=True)  # biased, matches torch BN training normalization
    return (h - mu) / jnp.sqrt(var + eps) * gamma + beta


def reference(x, edge_index, W_l0, b_l0, W_r0, gamma, beta, W_l1, b_l1, W_r1):
    n = x.shape[0]
    h = _sage_conv(x, edge_index, W_l0, b_l0, W_r0, n)
    h = _batch_norm(h, gamma, beta)
    h = jax.nn.relu(h)
    # dropout is identity in eval / deterministic reference
    out = _sage_conv(h, edge_index, W_l1, b_l1, W_r1, n)
    return out

if __name__ == "__main__":
    import jax
    _d = setup_inputs()
    print(jax.jit(kernel)(*tuple(_d.values())))

</pallas_src>

<mosaic_0001>
#map = affine_map<(d0, d1) -> (0, 0)>
#map1 = affine_map<(d0, d1) -> (0)>
#map2 = affine_map<(d0, d1) -> (0, 0, 0)>
module attributes {stable_mosaic.version = 14 : i64} {
  func.func @_sc_segsum(%arg0: i32, %arg1: i32, %arg2: memref<10000x128xf32, #tpu.memory_space<hbm>>, %arg3: memref<327680xi32, #tpu.memory_space<hbm>>, %arg4: memref<16x128x128xi32, #tpu.memory_space<hbm>>, %arg5: memref<16x128x128xi32, #tpu.memory_space<hbm>>, %arg6: memref<632x128xf32, #tpu.memory_space<hbm>>, %arg7: memref<2x10112x128xf32, #tpu.memory_space<hbm>>, %arg8: memref<128x128xi32, #tpu.memory_space<vmem>>, %arg9: memref<128xi32, #tpu.memory_space<vmem>>, %arg10: memref<128xi32, #tpu.memory_space<vmem>>, %arg11: memref<128x128xf32, #tpu.memory_space<vmem>>, %arg12: memref<128x128xf32, #tpu.memory_space<vmem>>, %arg13: memref<10112x128xf32, #tpu.memory_space<vmem_shared>>, %arg14: memref<!tpu.dma_semaphore, #tpu.memory_space<semaphore_mem>>, %arg15: memref<!tpu.dma_semaphore, #tpu.memory_space<semaphore_mem>>) attributes {dimension_semantics = [#tpu.dimension_semantics<core_parallel>, #tpu.dimension_semantics<subcore_parallel>], iteration_bounds = array<i64: 2, 16>, scalar_prefetch = 0 : i64, scratch_operands = 8 : i64, tpu.core_type = #tpu.core_type<sc_vector_subcore>, window_params = [{transform_indices = #map}, {transform_indices = #map1}, {transform_indices = #map2}, {transform_indices = #map2}, {transform_indices = #map}, {transform_indices = #map2}]} {
    %mul3A = arith.constant 632 : i32
    %mul3A_0 = arith.muli %arg1, %mul3A : i32
    "tpu.region"() ({
      %run_scoped3A = tpu.sem_alloc : memref<!tpu.dma_semaphore, #tpu.memory_space<semaphore_mem>>
      %dma_start3A = arith.constant 0 : i32
      %dma_start3A_12 = tpu.memref_slice %arg13[%mul3A_0, %dma_start3A] : memref<10112x128xf32, #tpu.memory_space<vmem_shared>> -> memref<632x128xf32, #tpu.memory_space<vmem_shared>>
      tpu.enqueue_dma source(%arg6 : memref<632x128xf32, #tpu.memory_space<hbm>>) target(%dma_start3A_12 : memref<632x128xf32, #tpu.memory_space<vmem_shared>>) target_semaphore(%run_scoped3A : memref<!tpu.dma_semaphore, #tpu.memory_space<semaphore_mem>>)
      %dma_wait3A = arith.constant 0 : i32
      %dma_wait3A_13 = tpu.memref_slice %arg13[%mul3A_0, %dma_wait3A] : memref<10112x128xf32, #tpu.memory_space<vmem_shared>> -> memref<632x128xf32, #tpu.memory_space<vmem_shared>>
      tpu.wait_dma2 semaphore(%run_scoped3A : memref<!tpu.dma_semaphore, #tpu.memory_space<semaphore_mem>>) src(%arg6 : memref<632x128xf32, #tpu.memory_space<hbm>>) dst(%dma_wait3A_13 : memref<632x128xf32, #tpu.memory_space<vmem_shared>>)
      tpu.yield
    }) : () -> ()
    %eq3A = arith.constant 0 : i32
    %eq3A_1 = arith.cmpi eq, %arg0, %eq3A : i32
    %convert_element_type3A = arith.extui %eq3A_1 : i1 to i32
    %cond3A = arith.constant 0 : i32
    %cond3A_2 = arith.cmpi ne, %convert_element_type3A, %cond3A : i32
    scf.if %cond3A_2 {
      %mul3A_12 = arith.constant 32 : i32
      %mul3A_13 = arith.muli %arg1, %mul3A_12 : i32
      "tpu.region"() ({
        %run_scoped3A_34 = tpu.sem_alloc : memref<!tpu.dma_semaphore, #tpu.memory_space<semaphore_mem>>
        %dma_start3A_35 = arith.constant 0 : i32
        %dma_start3A_36 = arith.constant 0 : i32
        %dma_start3A_37 = tpu.memref_slice %arg4[%arg1, %dma_start3A_35, %dma_start3A_36] : memref<16x128x128xi32, #tpu.memory_space<hbm>> -> memref<1x128x128xi32, #tpu.memory_space<hbm>>
        %dma_start3A_38 = tpu.memref_squeeze %dma_start3A_37 : memref<1x128x128xi32, #tpu.memory_space<hbm>> -> memref<128x128xi32, #tpu.memory_space<hbm>>
        %dma_start3A_39 = arith.constant 0 : i32
        %dma_start3A_40 = arith.constant 0 : i32
        %dma_start3A_41 = tpu.memref_slice %arg4[%arg1, %dma_start3A_39, %dma_start3A_40] : memref<16x128x128xi32, #tpu.memory_space<hbm>> -> memref<1x128x128xi32, #tpu.memory_space<hbm>>
        %dma_start3A_42 = tpu.memref_squeeze %dma_start3A_41 : memref<1x128x128xi32, #tpu.memory_space<hbm>> -> memref<128x128xi32, #tpu.memory_space<hbm>>
        tpu.enqueue_dma source(%dma_start3A_42 : memref<128x128xi32, #tpu.memory_space<hbm>>) target(%arg8 : memref<128x128xi32, #tpu.memory_space<vmem>>) target_semaphore(%run_scoped3A_34 : memref<!tpu.dma_semaphore, #tpu.memory_space<semaphore_mem>>)
        %dma_wait3A_43 = arith.constant 0 : i32
        %dma_wait3A_44 = arith.constant 0 : i32
        %dma_wait3A_45 = tpu.memref_slice %arg4[%arg1, %dma_wait3A_43, %dma_wait3A_44] : memref<16x128x128xi32, #tpu.memory_space<hbm>> -> memref<1x128x128xi32, #tpu.memory_space<hbm>>
        %dma_wait3A_46 = tpu.memref_squeeze %dma_wait3A_45 : memref<1x128x128xi32, #tpu.memory_space<hbm>> -> memref<128x128xi32, #tpu.memory_space<hbm>>
        %dma_wait3A_47 = arith.constant 0 : i32
        %dma_wait3A_48 = arith.constant 0 : i32
        %dma_wait3A_49 = tpu.memref_slice %arg4[%arg1, %dma_wait3A_47, %dma_wait3A_48] : memref<16x128x128xi32, #tpu.memory_space<hbm>> -> memref<1x128x128xi32, #tpu.memory_space<hbm>>
        %dma_wait3A_50 = tpu.memref_squeeze %dma_wait3A_49 : memref<1x128x128xi32, #tpu.memory_space<hbm>> -> memref<128x128xi32, #tpu.memory_space<hbm>>
        tpu.wait_dma2 semaphore(%run_scoped3A_34 : memref<!tpu.dma_semaphore, #tpu.memory_space<semaphore_mem>>) src(%dma_wait3A_50 : memref<128x128xi32, #tpu.memory_space<hbm>>) dst(%arg8 : memref<128x128xi32, #tpu.memory_space<vmem>>)
        tpu.yield
      }) : () -> ()
      %mul3A_14 = arith.constant 128 : i32
      %mul3A_15 = arith.muli %mul3A_13, %mul3A_14 : i32
      %add3A = arith.constant 0 : i32
      %add3A_16 = arith.addi %mul3A_15, %add3A : i32
      "tpu.region"() ({
        %run_scoped3A_34 = tpu.sem_alloc : memref<!tpu.dma_semaphore, #tpu.memory_space<semaphore_mem>>
        %dma_start3A_35 = tpu.memref_slice %arg3[%add3A_16] : memref<327680xi32, #tpu.memory_space<hbm>> -> memref<128xi32, #tpu.memory_space<hbm>>
        %dma_start3A_36 = tpu.memref_slice %arg3[%add3A_16] : memref<327680xi32, #tpu.memory_space<hbm>> -> memref<128xi32, #tpu.memory_space<hbm>>
        tpu.enqueue_dma source(%dma_start3A_36 : memref<128xi32, #tpu.memory_space<hbm>>) target(%arg9 : memref<128xi32, #tpu.memory_space<vmem>>) target_semaphore(%run_scoped3A_34 : memref<!tpu.dma_semaphore, #tpu.memory_space<semaphore_mem>>)
        %dma_wait3A_37 = tpu.memref_slice %arg3[%add3A_16] : memref<327680xi32, #tpu.memory_space<hbm>> -> memref<128xi32, #tpu.memory_space<hbm>>
        %dma_wait3A_38 = tpu.memref_slice %arg3[%add3A_16] : memref<327680xi32, #tpu.memory_space<hbm>> -> memref<128xi32, #tpu.memory_space<hbm>>
        tpu.wait_dma2 semaphore(%run_scoped3A_34 : memref<!tpu.dma_semaphore, #tpu.memory_space<semaphore_mem>>) src(%dma_wait3A_38 : memref<128xi32, #tpu.memory_space<hbm>>) dst(%arg9 : memref<128xi32, #tpu.memory_space<vmem>>)
        tpu.yield
      }) : () -> ()
      %dma_start3A = arith.constant 0 : i32
      %dma_start3A_17 = arith.constant 0 : i32
      %dma_start3A_18 = tpu.memref_slice %arg2[%dma_start3A, %dma_start3A_17] : memref<10000x128xf32, #tpu.memory_space<hbm>> -> memref<10000x128xf32, #tpu.memory_space<hbm>>
      tpu.enqueue_indirect_dma source(%dma_start3A_18 : memref<10000x128xf32, #tpu.memory_space<hbm>>) target(%arg11 : memref<128x128xf32, #tpu.memory_space<vmem>>) offsets(%arg9 : memref<128xi32, #tpu.memory_space<vmem>>) semaphore(%arg14 : memref<!tpu.dma_semaphore, #tpu.memory_space<semaphore_mem>>)
      %add3A_19 = arith.constant 128 : i32
      %add3A_20 = arith.addi %mul3A_15, %add3A_19 : i32
      "tpu.region"() ({
        %run_scoped3A_34 = tpu.sem_alloc : memref<!tpu.dma_semaphore, #tpu.memory_space<semaphore_mem>>
        %dma_start3A_35 = tpu.memref_slice %arg3[%add3A_20] : memref<327680xi32, #tpu.memory_space<hbm>> -> memref<128xi32, #tpu.memory_space<hbm>>
        %dma_start3A_36 = tpu.memref_slice %arg3[%add3A_20] : memref<327680xi32, #tpu.memory_space<hbm>> -> memref<128xi32, #tpu.memory_space<hbm>>
        tpu.enqueue_dma source(%dma_start3A_36 : memref<128xi32, #tpu.memory_space<hbm>>) target(%arg10 : memref<128xi32, #tpu.memory_space<vmem>>) target_semaphore(%run_scoped3A_34 : memref<!tpu.dma_semaphore, #tpu.memory_space<semaphore_mem>>)
        %dma_wait3A_37 = tpu.memref_slice %arg3[%add3A_20] : memref<327680xi32, #tpu.memory_space<hbm>> -> memref<128xi32, #tpu.memory_space<hbm>>
        %dma_wait3A_38 = tpu.memref_slice %arg3[%add3A_20] : memref<327680xi32, #tpu.memory_space<hbm>> -> memref<128xi32, #tpu.memory_space<hbm>>
        tpu.wait_dma2 semaphore(%run_scoped3A_34 : memref<!tpu.dma_semaphore, #tpu.memory_space<semaphore_mem>>) src(%dma_wait3A_38 : memref<128xi32, #tpu.memory_space<hbm>>) dst(%arg10 : memref<128xi32, #tpu.memory_space<vmem>>)
        tpu.yield
      }) : () -> ()
      %dma_start3A_21 = arith.constant 0 : i32
      %dma_start3A_22 = arith.constant 0 : i32
      %dma_start3A_23 = tpu.memref_slice %arg2[%dma_start3A_21, %dma_start3A_22] : memref<10000x128xf32, #tpu.memory_space<hbm>> -> memref<10000x128xf32, #tpu.memory_space<hbm>>
      tpu.enqueue_indirect_dma source(%dma_start3A_23 : memref<10000x128xf32, #tpu.memory_space<hbm>>) target(%arg12 : memref<128x128xf32, #tpu.memory_space<vmem>>) offsets(%arg10 : memref<128xi32, #tpu.memory_space<vmem>>) semaphore(%arg15 : memref<!tpu.dma_semaphore, #tpu.memory_space<semaphore_mem>>)
      %scan3A = arith.constant 0 : i32
      %scan3A_24 = arith.constant 15 : i32
      %scan3A_25 = arith.addi %scan3A, %scan3A_24 : i32
      %scan3A_26 = arith.constant 1 : i32
      scf.for %scan3A_34 = %scan3A to %scan3A_25 step %scan3A_26  : i32 {
        %mul3A_35 = arith.constant 1 : i32
        %mul3A_36 = arith.muli %scan3A_34, %mul3A_35 : i32
        %add3A_37 = arith.constant 0 : i32
        %add3A_38 = arith.addi %add3A_37, %mul3A_36 : i32
        %mul3A_39 = arith.constant 2 : i32
        %mul3A_40 = arith.muli %add3A_38, %mul3A_39 : i32
        %add3A_41 = arith.constant 0 : i32
        %add3A_42 = arith.addi %mul3A_40, %add3A_41 : i32
        %dma_wait3A_43 = arith.constant 0 : i32
        %dma_wait3A_44 = arith.constant 0 : i32
        %dma_wait3A_45 = tpu.memref_slice %arg2[%dma_wait3A_43, %dma_wait3A_44] : memref<10000x128xf32, #tpu.memory_space<hbm>> -> memref<10000x128xf32, #tpu.memory_space<hbm>>
        tpu.wait_indirect_dma semaphore(%arg14 : memref<!tpu.dma_semaphore, #tpu.memory_space<semaphore_mem>>) src(%dma_wait3A_45 : memref<10000x128xf32, #tpu.memory_space<hbm>>) dst(%arg11 : memref<128x128xf32, #tpu.memory_space<vmem>>)
        "tpu.region"() ({
          %run_scoped3A_67 = tpu.sem_alloc : memref<!tpu.dma_semaphore, #tpu.memory_space<semaphore_mem>>
          %dma_start3A_68 = arith.constant 0 : i32
          %dma_start3A_69 = tpu.memref_slice %arg8[%add3A_42, %dma_start3A_68] : memref<128x128xi32, #tpu.memory_space<vmem>> -> memref<1x128xi32, #tpu.memory_space<vmem>>
          %dma_start3A_70 = tpu.memref_squeeze %dma_start3A_69 : memref<1x128xi32, #tpu.memory_space<vmem>> -> memref<128xi32, #tpu.memory_space<vmem>>
          %dma_start3A_71 = arith.constant 0 : i32
          %dma_start3A_72 = arith.constant 0 : i32
          %dma_start3A_73 = tpu.memref_slice %arg13[%dma_start3A_71, %dma_start3A_72] : memref<10112x128xf32, #tpu.memory_space<vmem_shared>> -> memref<10112x128xf32, #tpu.memory_space<vmem_shared>>
          tpu.enqueue_indirect_dma source(%arg11 : memref<128x128xf32, #tpu.memory_space<vmem>>) target(%dma_start3A_73 : memref<10112x128xf32, #tpu.memory_space<vmem_shared>>) offsets(%dma_start3A_70 : memref<128xi32, #tpu.memory_space<vmem>>) semaphore(%run_scoped3A_67 : memref<!tpu.dma_semaphore, #tpu.memory_space<semaphore_mem>>) {add = true}
          %dma_wait3A_74 = arith.constant 0 : i32
          %dma_wait3A_75 = tpu.memref_slice %arg8[%add3A_42, %dma_wait3A_74] : memref<128x128xi32, #tpu.memory_space<vmem>> -> memref<1x128xi32, #tpu.memory_space<vmem>>
          %dma_wait3A_76 = tpu.memref_squeeze %dma_wait3A_75 : memref<1x128xi32, #tpu.memory_space<vmem>> -> memref<128xi32, #tpu.memory_space<vmem>>
          %dma_wait3A_77 = arith.constant 0 : i32
          %dma_wait3A_78 = arith.constant 0 : i32
          %dma_wait3A_79 = tpu.memref_slice %arg13[%dma_wait3A_77, %dma_wait3A_78] : memref<10112x128xf32, #tpu.memory_space<vmem_shared>> -> memref<10112x128xf32, #tpu.memory_space<vmem_shared>>
          tpu.wait_indirect_dma semaphore(%run_scoped3A_67 : memref<!tpu.dma_semaphore, #tpu.memory_space<semaphore_mem>>) src(%arg11 : memref<128x128xf32, #tpu.memory_space<vmem>>) dst(%dma_wait3A_79 : memref<10112x128xf32, #tpu.memory_space<vmem_shared>>)
          tpu.yield
        }) : () -> ()
        %add3A_46 = arith.constant 2 : i32
        %add3A_47 = arith.addi %add3A_42, %add3A_46 : i32
        %mul3A_48 = arith.constant 128 : i32
        %mul3A_49 = arith.muli %add3A_47, %mul3A_48 : i32
        %add3A_50 = arith.addi %mul3A_15, %mul3A_49 : i32
        "tpu.region"() ({
          %run_scoped3A_67 = tpu.sem_alloc : memref<!tpu.dma_semaphore, #tpu.memory_space<semaphore_mem>>
          %dma_start3A_68 = tpu.memref_slice %arg3[%add3A_50] : memref<327680xi32, #tpu.memory_space<hbm>> -> memref<128xi32, #tpu.memory_space<hbm>>
          %dma_start3A_69 = tpu.memref_slice %arg3[%add3A_50] : memref<327680xi32, #tpu.memory_space<hbm>> -> memref<128xi32, #tpu.memory_space<hbm>>
          tpu.enqueue_dma source(%dma_start3A_69 : memref<128xi32, #tpu.memory_space<hbm>>) target(%arg9 : memref<128xi32, #tpu.memory_space<vmem>>) target_semaphore(%run_scoped3A_67 : memref<!tpu.dma_semaphore, #tpu.memory_space<semaphore_mem>>)
          %dma_wait3A_70 = tpu.memref_slice %arg3[%add3A_50] : memref<327680xi32, #tpu.memory_space<hbm>> -> memref<128xi32, #tpu.memory_space<hbm>>
          %dma_wait3A_71 = tpu.memref_slice %arg3[%add3A_50] : memref<327680xi32, #tpu.memory_space<hbm>> -> memref<128xi32, #tpu.memory_space<hbm>>
          tpu.wait_dma2 semaphore(%run_scoped3A_67 : memref<!tpu.dma_semaphore, #tpu.memory_space<semaphore_mem>>) src(%dma_wait3A_71 : memref<128xi32, #tpu.memory_space<hbm>>) dst(%arg9 : memref<128xi32, #tpu.memory_space<vmem>>)
          tpu.yield
        }) : () -> ()
        %dma_start3A_51 = arith.constant 0 : i32
        %dma_start3A_52 = arith.constant 0 : i32
        %dma_start3A_53 = tpu.memref_slice %arg2[%dma_start3A_51, %dma_start3A_52] : memref<10000x128xf32, #tpu.memory_space<hbm>> -> memref<10000x128xf32, #tpu.memory_space<hbm>>
        tpu.enqueue_indirect_dma source(%dma_start3A_53 : memref<10000x128xf32, #tpu.memory_space<hbm>>) target(%arg11 : memref<128x128xf32, #tpu.memory_space<vmem>>) offsets(%arg9 : memref<128xi32, #tpu.memory_space<vmem>>) semaphore(%arg14 : memref<!tpu.dma_semaphore, #tpu.memory_space<semaphore_mem>>)
        %add3A_54 = arith.constant 1 : i32
        %add3A_55 = arith.addi %mul3A_40, %add3A_54 : i32
        %dma_wait3A_56 = arith.constant 0 : i32
        %dma_wait3A_57 = arith.constant 0 : i32
        %dma_wait3A_58 = tpu.memref_slice %arg2[%dma_wait3A_56, %dma_wait3A_57] : memref<10000x128xf32, #tpu.memory_space<hbm>> -> memref<10000x128xf32, #tpu.memory_space<hbm>>
        tpu.wait_indirect_dma semaphore(%arg15 : memref<!tpu.dma_semaphore, #tpu.memory_space<semaphore_mem>>) src(%dma_wait3A_58 : memref<10000x128xf32, #tpu.memory_space<hbm>>) dst(%arg12 : memref<128x128xf32, #tpu.memory_space<vmem>>)
        "tpu.region"() ({
          %run_scoped3A_67 = tpu.sem_alloc : memref<!tpu.dma_semaphore, #tpu.memory_space<semaphore_mem>>
          %dma_start3A_68 = arith.constant 0 : i32
          %dma_start3A_69 = tpu.memref_slice %arg8[%add3A_55, %dma_start3A_68] : memref<128x128xi32, #tpu.memory_space<vmem>> -> memref<1x128xi32, #tpu.memory_space<vmem>>
          %dma_start3A_70 = tpu.memref_squeeze %dma_start3A_69 : memref<1x128xi32, #tpu.memory_space<vmem>> -> memref<128xi32, #tpu.memory_space<vmem>>
          %dma_start3A_71 = arith.constant 0 : i32
          %dma_start3A_72 = arith.constant 0 : i32
          %dma_start3A_73 = tpu.memref_slice %arg13[%dma_start3A_71, %dma_start3A_72] : memref<10112x128xf32, #tpu.memory_space<vmem_shared>> -> memref<10112x128xf32, #tpu.memory_space<vmem_shared>>
          tpu.enqueue_indirect_dma source(%arg12 : memref<128x128xf32, #tpu.memory_space<vmem>>) target(%dma_start3A_73 : memref<10112x128xf32, #tpu.memory_space<vmem_shared>>) offsets(%dma_start3A_70 : memref<128xi32, #tpu.memory_space<vmem>>) semaphore(%run_scoped3A_67 : memref<!tpu.dma_semaphore, #tpu.memory_space<semaphore_mem>>) {add = true}
          %dma_wait3A_74 = arith.constant 0 : i32
          %dma_wait3A_75 = tpu.memref_slice %arg8[%add3A_55, %dma_wait3A_74] : memref<128x128xi32, #tpu.memory_space<vmem>> -> memref<1x128xi32, #tpu.memory_space<vmem>>
          %dma_wait3A_76 = tpu.memref_squeeze %dma_wait3A_75 : memref<1x128xi32, #tpu.memory_space<vmem>> -> memref<128xi32, #tpu.memory_space<vmem>>
          %dma_wait3A_77 = arith.constant 0 : i32
          %dma_wait3A_78 = arith.constant 0 : i32
          %dma_wait3A_79 = tpu.memref_slice %arg13[%dma_wait3A_77, %dma_wait3A_78] : memref<10112x128xf32, #tpu.memory_space<vmem_shared>> -> memref<10112x128xf32, #tpu.memory_space<vmem_shared>>
          tpu.wait_indirect_dma semaphore(%run_scoped3A_67 : memref<!tpu.dma_semaphore, #tpu.memory_space<semaphore_mem>>) src(%arg12 : memref<128x128xf32, #tpu.memory_space<vmem>>) dst(%dma_wait3A_79 : memref<10112x128xf32, #tpu.memory_space<vmem_shared>>)
          tpu.yield
        }) : () -> ()
        %add3A_59 = arith.constant 2 : i32
        %add3A_60 = arith.addi %add3A_55, %add3A_59 : i32
        %mul3A_61 = arith.constant 128 : i32
        %mul3A_62 = arith.muli %add3A_60, %mul3A_61 : i32
        %add3A_63 = arith.addi %mul3A_15, %mul3A_62 : i32
        "tpu.region"() ({
          %run_scoped3A_67 = tpu.sem_alloc : memref<!tpu.dma_semaphore, #tpu.memory_space<semaphore_mem>>
          %dma_start3A_68 = tpu.memref_slice %arg3[%add3A_63] : memref<327680xi32, #tpu.memory_space<hbm>> -> memref<128xi32, #tpu.memory_space<hbm>>
          %dma_start3A_69 = tpu.memref_slice %arg3[%add3A_63] : memref<327680xi32, #tpu.memory_space<hbm>> -> memref<128xi32, #tpu.memory_space<hbm>>
          tpu.enqueue_dma source(%dma_start3A_69 : memref<128xi32, #tpu.memory_space<hbm>>) target(%arg10 : memref<128xi32, #tpu.memory_space<vmem>>) target_semaphore(%run_scoped3A_67 : memref<!tpu.dma_semaphore, #tpu.memory_space<semaphore_mem>>)
          %dma_wait3A_70 = tpu.memref_slice %arg3[%add3A_63] : memref<327680xi32, #tpu.memory_space<hbm>> -> memref<128xi32, #tpu.memory_space<hbm>>
          %dma_wait3A_71 = tpu.memref_slice %arg3[%add3A_63] : memref<327680xi32, #tpu.memory_space<hbm>> -> memref<128xi32, #tpu.memory_space<hbm>>
          tpu.wait_dma2 semaphore(%run_scoped3A_67 : memref<!tpu.dma_semaphore, #tpu.memory_space<semaphore_mem>>) src(%dma_wait3A_71 : memref<128xi32, #tpu.memory_space<hbm>>) dst(%arg10 : memref<128xi32, #tpu.memory_space<vmem>>)
          tpu.yield
        }) : () -> ()
        %dma_start3A_64 = arith.constant 0 : i32
        %dma_start3A_65 = arith.constant 0 : i32
        %dma_start3A_66 = tpu.memref_slice %arg2[%dma_start3A_64, %dma_start3A_65] : memref<10000x128xf32, #tpu.memory_space<hbm>> -> memref<10000x128xf32, #tpu.memory_space<hbm>>
        tpu.enqueue_indirect_dma source(%dma_start3A_66 : memref<10000x128xf32, #tpu.memory_space<hbm>>) target(%arg12 : memref<128x128xf32, #tpu.memory_space<vmem>>) offsets(%arg10 : memref<128xi32, #tpu.memory_space<vmem>>) semaphore(%arg15 : memref<!tpu.dma_semaphore, #tpu.memory_space<semaphore_mem>>)
      }
      %scan3A_27 = arith.constant 15 : i32
      %dma_wait3A = arith.constant 0 : i32
      %dma_wait3A_28 = arith.constant 0 : i32
      %dma_wait3A_29 = tpu.memref_slice %arg2[%dma_wait3A, %dma_wait3A_28] : memref<10000x128xf32, #tpu.memory_space<hbm>> -> memref<10000x128xf32, #tpu.memory_space<hbm>>
      tpu.wait_indirect_dma semaphore(%arg14 : memref<!tpu.dma_semaphore, #tpu.memory_space<semaphore_mem>>) src(%dma_wait3A_29 : memref<10000x128xf32, #tpu.memory_space<hbm>>) dst(%arg11 : memref<128x128xf32, #tpu.memory_space<vmem>>)
      %run_scoped3A = arith.constant 30 : i32
      "tpu.region"() ({
        %run_scoped3A_34 = tpu.sem_alloc : memref<!tpu.dma_semaphore, #tpu.memory_space<semaphore_mem>>
        %dma_start3A_35 = arith.constant 0 : i32
        %dma_start3A_36 = tpu.memref_slice %arg8[%run_scoped3A, %dma_start3A_35] : memref<128x128xi32, #tpu.memory_space<vmem>> -> memref<1x128xi32, #tpu.memory_space<vmem>>
        %dma_start3A_37 = tpu.memref_squeeze %dma_start3A_36 : memref<1x128xi32, #tpu.memory_space<vmem>> -> memref<128xi32, #tpu.memory_space<vmem>>
        %dma_start3A_38 = arith.constant 0 : i32
        %dma_start3A_39 = arith.constant 0 : i32
        %dma_start3A_40 = tpu.memref_slice %arg13[%dma_start3A_38, %dma_start3A_39] : memref<10112x128xf32, #tpu.memory_space<vmem_shared>> -> memref<10112x128xf32, #tpu.memory_space<vmem_shared>>
        tpu.enqueue_indirect_dma source(%arg11 : memref<128x128xf32, #tpu.memory_space<vmem>>) target(%dma_start3A_40 : memref<10112x128xf32, #tpu.memory_space<vmem_shared>>) offsets(%dma_start3A_37 : memref<128xi32, #tpu.memory_space<vmem>>) semaphore(%run_scoped3A_34 : memref<!tpu.dma_semaphore, #tpu.memory_space<semaphore_mem>>) {add = true}
        %dma_wait3A_41 = arith.constant 0 : i32
        %dma_wait3A_42 = tpu.memref_slice %arg8[%run_scoped3A, %dma_wait3A_41] : memref<128x128xi32, #tpu.memory_space<vmem>> -> memref<1x128xi32, #tpu.memory_space<vmem>>
        %dma_wait3A_43 = tpu.memref_squeeze %dma_wait3A_42 : memref<1x128xi32, #tpu.memory_space<vmem>> -> memref<128xi32, #tpu.memory_space<vmem>>
        %dma_wait3A_44 = arith.constant 0 : i32
        %dma_wait3A_45 = arith.constant 0 : i32
        %dma_wait3A_46 = tpu.memref_slice %arg13[%dma_wait3A_44, %dma_wait3A_45] : memref<10112x128xf32, #tpu.memory_space<vmem_shared>> -> memref<10112x128xf32, #tpu.memory_space<vmem_shared>>
        tpu.wait_indirect_dma semaphore(%run_scoped3A_34 : memref<!tpu.dma_semaphore, #tpu.memory_space<semaphore_mem>>) src(%arg11 : memref<128x128xf32, #tpu.memory_space<vmem>>) dst(%dma_wait3A_46 : memref<10112x128xf32, #tpu.memory_space<vmem_shared>>)
        tpu.yield
      }) : () -> ()
      %dma_wait3A_30 = arith.constant 0 : i32
      %dma_wait3A_31 = arith.constant 0 : i32
      %dma_wait3A_32 = tpu.memref_slice %arg2[%dma_wait3A_30, %dma_wait3A_31] : memref<10000x128xf32, #tpu.memory_space<hbm>> -> memref<10000x128xf32, #tpu.memory_space<hbm>>
      tpu.wait_indirect_dma semaphore(%arg15 : memref<!tpu.dma_semaphore, #tpu.memory_space<semaphore_mem>>) src(%dma_wait3A_32 : memref<10000x128xf32, #tpu.memory_space<hbm>>) dst(%arg12 : memref<128x128xf32, #tpu.memory_space<vmem>>)
      %run_scoped3A_33 = arith.constant 31 : i32
      "tpu.region"() ({
        %run_scoped3A_34 = tpu.sem_alloc : memref<!tpu.dma_semaphore, #tpu.memory_space<semaphore_mem>>
        %dma_start3A_35 = arith.constant 0 : i32
        %dma_start3A_36 = tpu.memref_slice %arg8[%run_scoped3A_33, %dma_start3A_35] : memref<128x128xi32, #tpu.memory_space<vmem>> -> memref<1x128xi32, #tpu.memory_space<vmem>>
        %dma_start3A_37 = tpu.memref_squeeze %dma_start3A_36 : memref<1x128xi32, #tpu.memory_space<vmem>> -> memref<128xi32, #tpu.memory_space<vmem>>
        %dma_start3A_38 = arith.constant 0 : i32
        %dma_start3A_39 = arith.constant 0 : i32
        %dma_start3A_40 = tpu.memref_slice %arg13[%dma_start3A_38, %dma_start3A_39] : memref<10112x128xf32, #tpu.memory_space<vmem_shared>> -> memref<10112x128xf32, #tpu.memory_space<vmem_shared>>
        tpu.enqueue_indirect_dma source(%arg12 : memref<128x128xf32, #tpu.memory_space<vmem>>) target(%dma_start3A_40 : memref<10112x128xf32, #tpu.memory_space<vmem_shared>>) offsets(%dma_start3A_37 : memref<128xi32, #tpu.memory_space<vmem>>) semaphore(%run_scoped3A_34 : memref<!tpu.dma_semaphore, #tpu.memory_space<semaphore_mem>>) {add = true}
        %dma_wait3A_41 = arith.constant 0 : i32
        %dma_wait3A_42 = tpu.memref_slice %arg8[%run_scoped3A_33, %dma_wait3A_41] : memref<128x128xi32, #tpu.memory_space<vmem>> -> memref<1x128xi32, #tpu.memory_space<vmem>>
        %dma_wait3A_43 = tpu.memref_squeeze %dma_wait3A_42 : memref<1x128xi32, #tpu.memory_space<vmem>> -> memref<128xi32, #tpu.memory_space<vmem>>
        %dma_wait3A_44 = arith.constant 0 : i32
        %dma_wait3A_45 = arith.constant 0 : i32
        %dma_wait3A_46 = tpu.memref_slice %arg13[%dma_wait3A_44, %dma_wait3A_45] : memref<10112x128xf32, #tpu.memory_space<vmem_shared>> -> memref<10112x128xf32, #tpu.memory_space<vmem_shared>>
        tpu.wait_indirect_dma semaphore(%run_scoped3A_34 : memref<!tpu.dma_semaphore, #tpu.memory_space<semaphore_mem>>) src(%arg12 : memref<128x128xf32, #tpu.memory_space<vmem>>) dst(%dma_wait3A_46 : memref<10112x128xf32, #tpu.memory_space<vmem_shared>>)
        tpu.yield
      }) : () -> ()
    } else {
    }
    %eq3A_3 = arith.constant 1 : i32
    %eq3A_4 = arith.cmpi eq, %arg0, %eq3A_3 : i32
    %convert_element_type3A_5 = arith.extui %eq3A_4 : i1 to i32
    %cond3A_6 = arith.constant 0 : i32
    %cond3A_7 = arith.cmpi ne, %convert_element_type3A_5, %cond3A_6 : i32
    scf.if %cond3A_7 {
      %mul3A_12 = arith.constant 128 : i32
      %mul3A_13 = arith.muli %arg1, %mul3A_12 : i32
      %add3A = arith.constant 512 : i32
      %add3A_14 = arith.addi %add3A, %mul3A_13 : i32
      "tpu.region"() ({
        %run_scoped3A_36 = tpu.sem_alloc : memref<!tpu.dma_semaphore, #tpu.memory_space<semaphore_mem>>
        %dma_start3A_37 = arith.constant 0 : i32
        %dma_start3A_38 = arith.constant 0 : i32
        %dma_start3A_39 = tpu.memref_slice %arg5[%arg1, %dma_start3A_37, %dma_start3A_38] : memref<16x128x128xi32, #tpu.memory_space<hbm>> -> memref<1x128x128xi32, #tpu.memory_space<hbm>>
        %dma_start3A_40 = tpu.memref_squeeze %dma_start3A_39 : memref<1x128x128xi32, #tpu.memory_space<hbm>> -> memref<128x128xi32, #tpu.memory_space<hbm>>
        %dma_start3A_41 = arith.constant 0 : i32
        %dma_start3A_42 = arith.constant 0 : i32
        %dma_start3A_43 = tpu.memref_slice %arg5[%arg1, %dma_start3A_41, %dma_start3A_42] : memref<16x128x128xi32, #tpu.memory_space<hbm>> -> memref<1x128x128xi32, #tpu.memory_space<hbm>>
        %dma_start3A_44 = tpu.memref_squeeze %dma_start3A_43 : memref<1x128x128xi32, #tpu.memory_space<hbm>> -> memref<128x128xi32, #tpu.memory_space<hbm>>
        tpu.enqueue_dma source(%dma_start3A_44 : memref<128x128xi32, #tpu.memory_space<hbm>>) target(%arg8 : memref<128x128xi32, #tpu.memory_space<vmem>>) target_semaphore(%run_scoped3A_36 : memref<!tpu.dma_semaphore, #tpu.memory_space<semaphore_mem>>)
        %dma_wait3A_45 = arith.constant 0 : i32
        %dma_wait3A_46 = arith.constant 0 : i32
        %dma_wait3A_47 = tpu.memref_slice %arg5[%arg1, %dma_wait3A_45, %dma_wait3A_46] : memref<16x128x128xi32, #tpu.memory_space<hbm>> -> memref<1x128x128xi32, #tpu.memory_space<hbm>>
        %dma_wait3A_48 = tpu.memref_squeeze %dma_wait3A_47 : memref<1x128x128xi32, #tpu.memory_space<hbm>> -> memref<128x128xi32, #tpu.memory_space<hbm>>
        %dma_wait3A_49 = arith.constant 0 : i32
        %dma_wait3A_50 = arith.constant 0 : i32
        %dma_wait3A_51 = tpu.memref_slice %arg5[%arg1, %dma_wait3A_49, %dma_wait3A_50] : memref<16x128x128xi32, #tpu.memory_space<hbm>> -> memref<1x128x128xi32, #tpu.memory_space<hbm>>
        %dma_wait3A_52 = tpu.memref_squeeze %dma_wait3A_51 : memref<1x128x128xi32, #tpu.memory_space<hbm>> -> memref<128x128xi32, #tpu.memory_space<hbm>>
        tpu.wait_dma2 semaphore(%run_scoped3A_36 : memref<!tpu.dma_semaphore, #tpu.memory_space<semaphore_mem>>) src(%dma_wait3A_52 : memref<128x128xi32, #tpu.memory_space<hbm>>) dst(%arg8 : memref<128x128xi32, #tpu.memory_space<vmem>>)
        tpu.yield
      }) : () -> ()
      %mul3A_15 = arith.constant 128 : i32
      %mul3A_16 = arith.muli %add3A_14, %mul3A_15 : i32
      %add3A_17 = arith.constant 0 : i32
      %add3A_18 = arith.addi %mul3A_16, %add3A_17 : i32
      "tpu.region"() ({
        %run_scoped3A_36 = tpu.sem_alloc : memref<!tpu.dma_semaphore, #tpu.memory_space<semaphore_mem>>
        %dma_start3A_37 = tpu.memref_slice %arg3[%add3A_18] : memref<327680xi32, #tpu.memory_space<hbm>> -> memref<128xi32, #tpu.memory_space<hbm>>
        %dma_start3A_38 = tpu.memref_slice %arg3[%add3A_18] : memref<327680xi32, #tpu.memory_space<hbm>> -> memref<128xi32, #tpu.memory_space<hbm>>
        tpu.enqueue_dma source(%dma_start3A_38 : memref<128xi32, #tpu.memory_space<hbm>>) target(%arg9 : memref<128xi32, #tpu.memory_space<vmem>>) target_semaphore(%run_scoped3A_36 : memref<!tpu.dma_semaphore, #tpu.memory_space<semaphore_mem>>)
        %dma_wait3A_39 = tpu.memref_slice %arg3[%add3A_18] : memref<327680xi32, #tpu.memory_space<hbm>> -> memref<128xi32, #tpu.memory_space<hbm>>
        %dma_wait3A_40 = tpu.memref_slice %arg3[%add3A_18] : memref<327680xi32, #tpu.memory_space<hbm>> -> memref<128xi32, #tpu.memory_space<hbm>>
        tpu.wait_dma2 semaphore(%run_scoped3A_36 : memref<!tpu.dma_semaphore, #tpu.memory_space<semaphore_mem>>) src(%dma_wait3A_40 : memref<128xi32, #tpu.memory_space<hbm>>) dst(%arg9 : memref<128xi32, #tpu.memory_space<vmem>>)
        tpu.yield
      }) : () -> ()
      %dma_start3A = arith.constant 0 : i32
      %dma_start3A_19 = arith.constant 0 : i32
      %dma_start3A_20 = tpu.memref_slice %arg2[%dma_start3A, %dma_start3A_19] : memref<10000x128xf32, #tpu.memory_space<hbm>> -> memref<10000x128xf32, #tpu.memory_space<hbm>>
      tpu.enqueue_indirect_dma source(%dma_start3A_20 : memref<10000x128xf32, #tpu.memory_space<hbm>>) target(%arg11 : memref<128x128xf32, #tpu.memory_space<vmem>>) offsets(%arg9 : memref<128xi32, #tpu.memory_space<vmem>>) semaphore(%arg14 : memref<!tpu.dma_semaphore, #tpu.memory_space<semaphore_mem>>)
      %add3A_21 = arith.constant 128 : i32
      %add3A_22 = arith.addi %mul3A_16, %add3A_21 : i32
      "tpu.region"() ({
        %run_scoped3A_36 = tpu.sem_alloc : memref<!tpu.dma_semaphore, #tpu.memory_space<semaphore_mem>>
        %dma_start3A_37 = tpu.memref_slice %arg3[%add3A_22] : memref<327680xi32, #tpu.memory_space<hbm>> -> memref<128xi32, #tpu.memory_space<hbm>>
        %dma_start3A_38 = tpu.memref_slice %arg3[%add3A_22] : memref<327680xi32, #tpu.memory_space<hbm>> -> memref<128xi32, #tpu.memory_space<hbm>>
        tpu.enqueue_dma source(%dma_start3A_38 : memref<128xi32, #tpu.memory_space<hbm>>) target(%arg10 : memref<128xi32, #tpu.memory_space<vmem>>) target_semaphore(%run_scoped3A_36 : memref<!tpu.dma_semaphore, #tpu.memory_space<semaphore_mem>>)
        %dma_wait3A_39 = tpu.memref_slice %arg3[%add3A_22] : memref<327680xi32, #tpu.memory_space<hbm>> -> memref<128xi32, #tpu.memory_space<hbm>>
        %dma_wait3A_40 = tpu.memref_slice %arg3[%add3A_22] : memref<327680xi32, #tpu.memory_space<hbm>> -> memref<128xi32, #tpu.memory_space<hbm>>
        tpu.wait_dma2 semaphore(%run_scoped3A_36 : memref<!tpu.dma_semaphore, #tpu.memory_space<semaphore_mem>>) src(%dma_wait3A_40 : memref<128xi32, #tpu.memory_space<hbm>>) dst(%arg10 : memref<128xi32, #tpu.memory_space<vmem>>)
        tpu.yield
      }) : () -> ()
      %dma_start3A_23 = arith.constant 0 : i32
      %dma_start3A_24 = arith.constant 0 : i32
      %dma_start3A_25 = tpu.memref_slice %arg2[%dma_start3A_23, %dma_start3A_24] : memref<10000x128xf32, #tpu.memory_space<hbm>> -> memref<10000x128xf32, #tpu.memory_space<hbm>>
      tpu.enqueue_indirect_dma source(%dma_start3A_25 : memref<10000x128xf32, #tpu.memory_space<hbm>>) target(%arg12 : memref<128x128xf32, #tpu.memory_space<vmem>>) offsets(%arg10 : memref<128xi32, #tpu.memory_space<vmem>>) semaphore(%arg15 : memref<!tpu.dma_semaphore, #tpu.memory_space<semaphore_mem>>)
      %scan3A = arith.constant 0 : i32
      %scan3A_26 = arith.constant 63 : i32
      %scan3A_27 = arith.addi %scan3A, %scan3A_26 : i32
      %scan3A_28 = arith.constant 1 : i32
      scf.for %scan3A_36 = %scan3A to %scan3A_27 step %scan3A_28  : i32 {
        %mul3A_37 = arith.constant 1 : i32
        %mul3A_38 = arith.muli %scan3A_36, %mul3A_37 : i32
        %add3A_39 = arith.constant 0 : i32
        %add3A_40 = arith.addi %add3A_39, %mul3A_38 : i32
        %mul3A_41 = arith.constant 2 : i32
        %mul3A_42 = arith.muli %add3A_40, %mul3A_41 : i32
        %add3A_43 = arith.constant 0 : i32
        %add3A_44 = arith.addi %mul3A_42, %add3A_43 : i32
        %dma_wait3A_45 = arith.constant 0 : i32
        %dma_wait3A_46 = arith.constant 0 : i32
        %dma_wait3A_47 = tpu.memref_slice %arg2[%dma_wait3A_45, %dma_wait3A_46] : memref<10000x128xf32, #tpu.memory_space<hbm>> -> memref<10000x128xf32, #tpu.memory_space<hbm>>
        tpu.wait_indirect_dma semaphore(%arg14 : memref<!tpu.dma_semaphore, #tpu.memory_space<semaphore_mem>>) src(%dma_wait3A_47 : memref<10000x128xf32, #tpu.memory_space<hbm>>) dst(%arg11 : memref<128x128xf32, #tpu.memory_space<vmem>>)
        "tpu.region"() ({
          %run_scoped3A_69 = tpu.sem_alloc : memref<!tpu.dma_semaphore, #tpu.memory_space<semaphore_mem>>
          %dma_start3A_70 = arith.constant 0 : i32
          %dma_start3A_71 = tpu.memref_slice %arg8[%add3A_44, %dma_start3A_70] : memref<128x128xi32, #tpu.memory_space<vmem>> -> memref<1x128xi32, #tpu.memory_space<vmem>>
          %dma_start3A_72 = tpu.memref_squeeze %dma_start3A_71 : memref<1x128xi32, #tpu.memory_space<vmem>> -> memref<128xi32, #tpu.memory_space<vmem>>
          %dma_start3A_73 = arith.constant 0 : i32
          %dma_start3A_74 = arith.constant 0 : i32
          %dma_start3A_75 = tpu.memref_slice %arg13[%dma_start3A_73, %dma_start3A_74] : memref<10112x128xf32, #tpu.memory_space<vmem_shared>> -> memref<10112x128xf32, #tpu.memory_space<vmem_shared>>
          tpu.enqueue_indirect_dma source(%arg11 : memref<128x128xf32, #tpu.memory_space<vmem>>) target(%dma_start3A_75 : memref<10112x128xf32, #tpu.memory_space<vmem_shared>>) offsets(%dma_start3A_72 : memref<128xi32, #tpu.memory_space<vmem>>) semaphore(%run_scoped3A_69 : memref<!tpu.dma_semaphore, #tpu.memory_space<semaphore_mem>>) {add = true}
          %dma_wait3A_76 = arith.constant 0 : i32
          %dma_wait3A_77 = tpu.memref_slice %arg8[%add3A_44, %dma_wait3A_76] : memref<128x128xi32, #tpu.memory_space<vmem>> -> memref<1x128xi32, #tpu.memory_space<vmem>>
          %dma_wait3A_78 = tpu.memref_squeeze %dma_wait3A_77 : memref<1x128xi32, #tpu.memory_space<vmem>> -> memref<128xi32, #tpu.memory_space<vmem>>
          %dma_wait3A_79 = arith.constant 0 : i32
          %dma_wait3A_80 = arith.constant 0 : i32
          %dma_wait3A_81 = tpu.memref_slice %arg13[%dma_wait3A_79, %dma_wait3A_80] : memref<10112x128xf32, #tpu.memory_space<vmem_shared>> -> memref<10112x128xf32, #tpu.memory_space<vmem_shared>>
          tpu.wait_indirect_dma semaphore(%run_scoped3A_69 : memref<!tpu.dma_semaphore, #tpu.memory_space<semaphore_mem>>) src(%arg11 : memref<128x128xf32, #tpu.memory_space<vmem>>) dst(%dma_wait3A_81 : memref<10112x128xf32, #tpu.memory_space<vmem_shared>>)
          tpu.yield
        }) : () -> ()
        %add3A_48 = arith.constant 2 : i32
        %add3A_49 = arith.addi %add3A_44, %add3A_48 : i32
        %mul3A_50 = arith.constant 128 : i32
        %mul3A_51 = arith.muli %add3A_49, %mul3A_50 : i32
        %add3A_52 = arith.addi %mul3A_16, %mul3A_51 : i32
        "tpu.region"() ({
          %run_scoped3A_69 = tpu.sem_alloc : memref<!tpu.dma_semaphore, #tpu.memory_space<semaphore_mem>>
          %dma_start3A_70 = tpu.memref_slice %arg3[%add3A_52] : memref<327680xi32, #tpu.memory_space<hbm>> -> memref<128xi32, #tpu.memory_space<hbm>>
          %dma_start3A_71 = tpu.memref_slice %arg3[%add3A_52] : memref<327680xi32, #tpu.memory_space<hbm>> -> memref<128xi32, #tpu.memory_space<hbm>>
          tpu.enqueue_dma source(%dma_start3A_71 : memref<128xi32, #tpu.memory_space<hbm>>) target(%arg9 : memref<128xi32, #tpu.memory_space<vmem>>) target_semaphore(%run_scoped3A_69 : memref<!tpu.dma_semaphore, #tpu.memory_space<semaphore_mem>>)
          %dma_wait3A_72 = tpu.memref_slice %arg3[%add3A_52] : memref<327680xi32, #tpu.memory_space<hbm>> -> memref<128xi32, #tpu.memory_space<hbm>>
          %dma_wait3A_73 = tpu.memref_slice %arg3[%add3A_52] : memref<327680xi32, #tpu.memory_space<hbm>> -> memref<128xi32, #tpu.memory_space<hbm>>
          tpu.wait_dma2 semaphore(%run_scoped3A_69 : memref<!tpu.dma_semaphore, #tpu.memory_space<semaphore_mem>>) src(%dma_wait3A_73 : memref<128xi32, #tpu.memory_space<hbm>>) dst(%arg9 : memref<128xi32, #tpu.memory_space<vmem>>)
          tpu.yield
        }) : () -> ()
        %dma_start3A_53 = arith.constant 0 : i32
        %dma_start3A_54 = arith.constant 0 : i32
        %dma_start3A_55 = tpu.memref_slice %arg2[%dma_start3A_53, %dma_start3A_54] : memref<10000x128xf32, #tpu.memory_space<hbm>> -> memref<10000x128xf32, #tpu.memory_space<hbm>>
        tpu.enqueue_indirect_dma source(%dma_start3A_55 : memref<10000x128xf32, #tpu.memory_space<hbm>>) target(%arg11 : memref<128x128xf32, #tpu.memory_space<vmem>>) offsets(%arg9 : memref<128xi32, #tpu.memory_space<vmem>>) semaphore(%arg14 : memref<!tpu.dma_semaphore, #tpu.memory_space<semaphore_mem>>)
        %add3A_56 = arith.constant 1 : i32
        %add3A_57 = arith.addi %mul3A_42, %add3A_56 : i32
        %dma_wait3A_58 = arith.constant 0 : i32
        %dma_wait3A_59 = arith.constant 0 : i32
        %dma_wait3A_60 = tpu.memref_slice %arg2[%dma_wait3A_58, %dma_wait3A_59] : memref<10000x128xf32, #tpu.memory_space<hbm>> -> memref<10000x128xf32, #tpu.memory_space<hbm>>
        tpu.wait_indirect_dma semaphore(%arg15 : memref<!tpu.dma_semaphore, #tpu.memory_space<semaphore_mem>>) src(%dma_wait3A_60 : memref<10000x128xf32, #tpu.memory_space<hbm>>) dst(%arg12 : memref<128x128xf32, #tpu.memory_space<vmem>>)
        "tpu.region"() ({
          %run_scoped3A_69 = tpu.sem_alloc : memref<!tpu.dma_semaphore, #tpu.memory_space<semaphore_mem>>
          %dma_start3A_70 = arith.constant 0 : i32
          %dma_start3A_71 = tpu.memref_slice %arg8[%add3A_57, %dma_start3A_70] : memref<128x128xi32, #tpu.memory_space<vmem>> -> memref<1x128xi32, #tpu.memory_space<vmem>>
          %dma_start3A_72 = tpu.memref_squeeze %dma_start3A_71 : memref<1x128xi32, #tpu.memory_space<vmem>> -> memref<128xi32, #tpu.memory_space<vmem>>
          %dma_start3A_73 = arith.constant 0 : i32
          %dma_start3A_74 = arith.constant 0 : i32
          %dma_start3A_75 = tpu.memref_slice %arg13[%dma_start3A_73, %dma_start3A_74] : memref<10112x128xf32, #tpu.memory_space<vmem_shared>> -> memref<10112x128xf32, #tpu.memory_space<vmem_shared>>
          tpu.enqueue_indirect_dma source(%arg12 : memref<128x128xf32, #tpu.memory_space<vmem>>) target(%dma_start3A_75 : memref<10112x128xf32, #tpu.memory_space<vmem_shared>>) offsets(%dma_start3A_72 : memref<128xi32, #tpu.memory_space<vmem>>) semaphore(%run_scoped3A_69 : memref<!tpu.dma_semaphore, #tpu.memory_space<semaphore_mem>>) {add = true}
          %dma_wait3A_76 = arith.constant 0 : i32
          %dma_wait3A_77 = tpu.memref_slice %arg8[%add3A_57, %dma_wait3A_76] : memref<128x128xi32, #tpu.memory_space<vmem>> -> memref<1x128xi32, #tpu.memory_space<vmem>>
          %dma_wait3A_78 = tpu.memref_squeeze %dma_wait3A_77 : memref<1x128xi32, #tpu.memory_space<vmem>> -> memref<128xi32, #tpu.memory_space<vmem>>
          %dma_wait3A_79 = arith.constant 0 : i32
          %dma_wait3A_80 = arith.constant 0 : i32
          %dma_wait3A_81 = tpu.memref_slice %arg13[%dma_wait3A_79, %dma_wait3A_80] : memref<10112x128xf32, #tpu.memory_space<vmem_shared>> -> memref<10112x128xf32, #tpu.memory_space<vmem_shared>>
          tpu.wait_indirect_dma semaphore(%run_scoped3A_69 : memref<!tpu.dma_semaphore, #tpu.memory_space<semaphore_mem>>) src(%arg12 : memref<128x128xf32, #tpu.memory_space<vmem>>) dst(%dma_wait3A_81 : memref<10112x128xf32, #tpu.memory_space<vmem_shared>>)
          tpu.yield
        }) : () -> ()
        %add3A_61 = arith.constant 2 : i32
        %add3A_62 = arith.addi %add3A_57, %add3A_61 : i32
        %mul3A_63 = arith.constant 128 : i32
        %mul3A_64 = arith.muli %add3A_62, %mul3A_63 : i32
        %add3A_65 = arith.addi %mul3A_16, %mul3A_64 : i32
        "tpu.region"() ({
          %run_scoped3A_69 = tpu.sem_alloc : memref<!tpu.dma_semaphore, #tpu.memory_space<semaphore_mem>>
          %dma_start3A_70 = tpu.memref_slice %arg3[%add3A_65] : memref<327680xi32, #tpu.memory_space<hbm>> -> memref<128xi32, #tpu.memory_space<hbm>>
          %dma_start3A_71 = tpu.memref_slice %arg3[%add3A_65] : memref<327680xi32, #tpu.memory_space<hbm>> -> memref<128xi32, #tpu.memory_space<hbm>>
          tpu.enqueue_dma source(%dma_start3A_71 : memref<128xi32, #tpu.memory_space<hbm>>) target(%arg10 : memref<128xi32, #tpu.memory_space<vmem>>) target_semaphore(%run_scoped3A_69 : memref<!tpu.dma_semaphore, #tpu.memory_space<semaphore_mem>>)
          %dma_wait3A_72 = tpu.memref_slice %arg3[%add3A_65] : memref<327680xi32, #tpu.memory_space<hbm>> -> memref<128xi32, #tpu.memory_space<hbm>>
          %dma_wait3A_73 = tpu.memref_slice %arg3[%add3A_65] : memref<327680xi32, #tpu.memory_space<hbm>> -> memref<128xi32, #tpu.memory_space<hbm>>
          tpu.wait_dma2 semaphore(%run_scoped3A_69 : memref<!tpu.dma_semaphore, #tpu.memory_space<semaphore_mem>>) src(%dma_wait3A_73 : memref<128xi32, #tpu.memory_space<hbm>>) dst(%arg10 : memref<128xi32, #tpu.memory_space<vmem>>)
          tpu.yield
        }) : () -> ()
        %dma_start3A_66 = arith.constant 0 : i32
        %dma_start3A_67 = arith.constant 0 : i32
        %dma_start3A_68 = tpu.memref_slice %arg2[%dma_start3A_66, %dma_start3A_67] : memref<10000x128xf32, #tpu.memory_space<hbm>> -> memref<10000x128xf32, #tpu.memory_space<hbm>>
        tpu.enqueue_indirect_dma source(%dma_start3A_68 : memref<10000x128xf32, #tpu.memory_space<hbm>>) target(%arg12 : memref<128x128xf32, #tpu.memory_space<vmem>>) offsets(%arg10 : memref<128xi32, #tpu.memory_space<vmem>>) semaphore(%arg15 : memref<!tpu.dma_semaphore, #tpu.memory_space<semaphore_mem>>)
      }
      %scan3A_29 = arith.constant 63 : i32
      %dma_wait3A = arith.constant 0 : i32
      %dma_wait3A_30 = arith.constant 0 : i32
      %dma_wait3A_31 = tpu.memref_slice %arg2[%dma_wait3A, %dma_wait3A_30] : memref<10000x128xf32, #tpu.memory_space<hbm>> -> memref<10000x128xf32, #tpu.memory_space<hbm>>
      tpu.wait_indirect_dma semaphore(%arg14 : memref<!tpu.dma_semaphore, #tpu.memory_space<semaphore_mem>>) src(%dma_wait3A_31 : memref<10000x128xf32, #tpu.memory_space<hbm>>) dst(%arg11 : memref<128x128xf32, #tpu.memory_space<vmem>>)
      %run_scoped3A = arith.constant 126 : i32
      "tpu.region"() ({
        %run_scoped3A_36 = tpu.sem_alloc : memref<!tpu.dma_semaphore, #tpu.memory_space<semaphore_mem>>
        %dma_start3A_37 = arith.constant 0 : i32
        %dma_start3A_38 = tpu.memref_slice %arg8[%run_scoped3A, %dma_start3A_37] : memref<128x128xi32, #tpu.memory_space<vmem>> -> memref<1x128xi32, #tpu.memory_space<vmem>>
        %dma_start3A_39 = tpu.memref_squeeze %dma_start3A_38 : memref<1x128xi32, #tpu.memory_space<vmem>> -> memref<128xi32, #tpu.memory_space<vmem>>
        %dma_start3A_40 = arith.constant 0 : i32
        %dma_start3A_41 = arith.constant 0 : i32
        %dma_start3A_42 = tpu.memref_slice %arg13[%dma_start3A_40, %dma_start3A_41] : memref<10112x128xf32, #tpu.memory_space<vmem_shared>> -> memref<10112x128xf32, #tpu.memory_space<vmem_shared>>
        tpu.enqueue_indirect_dma source(%arg11 : memref<128x128xf32, #tpu.memory_space<vmem>>) target(%dma_start3A_42 : memref<10112x128xf32, #tpu.memory_space<vmem_shared>>) offsets(%dma_start3A_39 : memref<128xi32, #tpu.memory_space<vmem>>) semaphore(%run_scoped3A_36 : memref<!tpu.dma_semaphore, #tpu.memory_space<semaphore_mem>>) {add = true}
        %dma_wait3A_43 = arith.constant 0 : i32
        %dma_wait3A_44 = tpu.memref_slice %arg8[%run_scoped3A, %dma_wait3A_43] : memref<128x128xi32, #tpu.memory_space<vmem>> -> memref<1x128xi32, #tpu.memory_space<vmem>>
        %dma_wait3A_45 = tpu.memref_squeeze %dma_wait3A_44 : memref<1x128xi32, #tpu.memory_space<vmem>> -> memref<128xi32, #tpu.memory_space<vmem>>
        %dma_wait3A_46 = arith.constant 0 : i32
        %dma_wait3A_47 = arith.constant 0 : i32
        %dma_wait3A_48 = tpu.memref_slice %arg13[%dma_wait3A_46, %dma_wait3A_47] : memref<10112x128xf32, #tpu.memory_space<vmem_shared>> -> memref<10112x128xf32, #tpu.memory_space<vmem_shared>>
        tpu.wait_indirect_dma semaphore(%run_scoped3A_36 : memref<!tpu.dma_semaphore, #tpu.memory_space<semaphore_mem>>) src(%arg11 : memref<128x128xf32, #tpu.memory_space<vmem>>) dst(%dma_wait3A_48 : memref<10112x128xf32, #tpu.memory_space<vmem_shared>>)
        tpu.yield
      }) : () -> ()
      %dma_wait3A_32 = arith.constant 0 : i32
      %dma_wait3A_33 = arith.constant 0 : i32
      %dma_wait3A_34 = tpu.memref_slice %arg2[%dma_wait3A_32, %dma_wait3A_33] : memref<10000x128xf32, #tpu.memory_space<hbm>> -> memref<10000x128xf32, #tpu.memory_space<hbm>>
      tpu.wait_indirect_dma semaphore(%arg15 : memref<!tpu.dma_semaphore, #tpu.memory_space<semaphore_mem>>) src(%dma_wait3A_34 : memref<10000x128xf32, #tpu.memory_space<hbm>>) dst(%arg12 : memref<128x128xf32, #tpu.memory_space<vmem>>)
      %run_scoped3A_35 = arith.constant 127 : i32
      "tpu.region"() ({
        %run_scoped3A_36 = tpu.sem_alloc : memref<!tpu.dma_semaphore, #tpu.memory_space<semaphore_mem>>
        %dma_start3A_37 = arith.constant 0 : i32
        %dma_start3A_38 = tpu.memref_slice %arg8[%run_scoped3A_35, %dma_start3A_37] : memref<128x128xi32, #tpu.memory_space<vmem>> -> memref<1x128xi32, #tpu.memory_space<vmem>>
        %dma_start3A_39 = tpu.memref_squeeze %dma_start3A_38 : memref<1x128xi32, #tpu.memory_space<vmem>> -> memref<128xi32, #tpu.memory_space<vmem>>
        %dma_start3A_40 = arith.constant 0 : i32
        %dma_start3A_41 = arith.constant 0 : i32
        %dma_start3A_42 = tpu.memref_slice %arg13[%dma_start3A_40, %dma_start3A_41] : memref<10112x128xf32, #tpu.memory_space<vmem_shared>> -> memref<10112x128xf32, #tpu.memory_space<vmem_shared>>
        tpu.enqueue_indirect_dma source(%arg12 : memref<128x128xf32, #tpu.memory_space<vmem>>) target(%dma_start3A_42 : memref<10112x128xf32, #tpu.memory_space<vmem_shared>>) offsets(%dma_start3A_39 : memref<128xi32, #tpu.memory_space<vmem>>) semaphore(%run_scoped3A_36 : memref<!tpu.dma_semaphore, #tpu.memory_space<semaphore_mem>>) {add = true}
        %dma_wait3A_43 = arith.constant 0 : i32
        %dma_wait3A_44 = tpu.memref_slice %arg8[%run_scoped3A_35, %dma_wait3A_43] : memref<128x128xi32, #tpu.memory_space<vmem>> -> memref<1x128xi32, #tpu.memory_space<vmem>>
        %dma_wait3A_45 = tpu.memref_squeeze %dma_wait3A_44 : memref<1x128xi32, #tpu.memory_space<vmem>> -> memref<128xi32, #tpu.memory_space<vmem>>
        %dma_wait3A_46 = arith.constant 0 : i32
        %dma_wait3A_47 = arith.constant 0 : i32
        %dma_wait3A_48 = tpu.memref_slice %arg13[%dma_wait3A_46, %dma_wait3A_47] : memref<10112x128xf32, #tpu.memory_space<vmem_shared>> -> memref<10112x128xf32, #tpu.memory_space<vmem_shared>>
        tpu.wait_indirect_dma semaphore(%run_scoped3A_36 : memref<!tpu.dma_semaphore, #tpu.memory_space<semaphore_mem>>) src(%arg12 : memref<128x128xf32, #tpu.memory_space<vmem>>) dst(%dma_wait3A_48 : memref<10112x128xf32, #tpu.memory_space<vmem_shared>>)
        tpu.yield
      }) : () -> ()
    } else {
    }
    %barrier3A = arith.constant 0 : index
    tpu.barrier barrier_id(%barrier3A)
    %mul3A_8 = arith.constant 632 : i32
    %mul3A_9 = arith.muli %arg1, %mul3A_8 : i32
    %mul3A_10 = arith.constant 632 : i32
    %mul3A_11 = arith.muli %arg1, %mul3A_10 : i32
    "tpu.region"() ({
      %run_scoped3A = tpu.sem_alloc : memref<!tpu.dma_semaphore, #tpu.memory_space<semaphore_mem>>
      %dma_start3A = arith.constant 0 : i32
      %dma_start3A_12 = tpu.memref_slice %arg7[%arg0, %mul3A_11, %dma_start3A] : memref<2x10112x128xf32, #tpu.memory_space<hbm>> -> memref<1x632x128xf32, #tpu.memory_space<hbm>>
      %dma_start3A_13 = tpu.memref_squeeze %dma_start3A_12 : memref<1x632x128xf32, #tpu.memory_space<hbm>> -> memref<632x128xf32, #tpu.memory_space<hbm>>
      %dma_start3A_14 = arith.constant 0 : i32
      %dma_start3A_15 = tpu.memref_slice %arg13[%mul3A_9, %dma_start3A_14] : memref<10112x128xf32, #tpu.memory_space<vmem_shared>> -> memref<632x128xf32, #tpu.memory_space<vmem_shared>>
      tpu.enqueue_dma source(%dma_start3A_15 : memref<632x128xf32, #tpu.memory_space<vmem_shared>>) target(%dma_start3A_13 : memref<632x128xf32, #tpu.memory_space<hbm>>) target_semaphore(%run_scoped3A : memref<!tpu.dma_semaphore, #tpu.memory_space<semaphore_mem>>)
      %dma_wait3A = arith.constant 0 : i32
      %dma_wait3A_16 = tpu.memref_slice %arg7[%arg0, %mul3A_11, %dma_wait3A] : memref<2x10112x128xf32, #tpu.memory_space<hbm>> -> memref<1x632x128xf32, #tpu.memory_space<hbm>>
      %dma_wait3A_17 = tpu.memref_squeeze %dma_wait3A_16 : memref<1x632x128xf32, #tpu.memory_space<hbm>> -> memref<632x128xf32, #tpu.memory_space<hbm>>
      %dma_wait3A_18 = arith.constant 0 : i32
      %dma_wait3A_19 = tpu.memref_slice %arg13[%mul3A_9, %dma_wait3A_18] : memref<10112x128xf32, #tpu.memory_space<vmem_shared>> -> memref<632x128xf32, #tpu.memory_space<vmem_shared>>
      tpu.wait_dma2 semaphore(%run_scoped3A : memref<!tpu.dma_semaphore, #tpu.memory_space<semaphore_mem>>) src(%dma_wait3A_19 : memref<632x128xf32, #tpu.memory_space<vmem_shared>>) dst(%dma_wait3A_17 : memref<632x128xf32, #tpu.memory_space<hbm>>)
      tpu.yield
    }) : () -> ()
    return
  }
}

#map = affine_map<(d0, d1) -> (0, 0)>
#map1 = affine_map<(d0, d1) -> (0, 0, 0)>
module attributes {stable_mosaic.version = 14 : i64} {
  func.func @_sc_counts(%arg0: i32, %arg1: i32, %arg2: memref<2560x128xi32, #tpu.memory_space<hbm>>, %arg3: memref<632x128xf32, #tpu.memory_space<hbm>>, %arg4: memref<128x128xf32, #tpu.memory_space<hbm>>, %arg5: memref<2x10112x128xf32, #tpu.memory_space<hbm>>, %arg6: memref<80x128xi32, #tpu.memory_space<vmem>>, %arg7: memref<128x128xf32, #tpu.memory_space<vmem>>, %arg8: memref<10112x128xf32, #tpu.memory_space<vmem_shared>>) attributes {dimension_semantics = [#tpu.dimension_semantics<core_parallel>, #tpu.dimension_semantics<subcore_parallel>], iteration_bounds = array<i64: 2, 16>, scalar_prefetch = 0 : i64, scratch_operands = 3 : i64, tpu.core_type = #tpu.core_type<sc_vector_subcore>, window_params = [{transform_indices = #map}, {transform_indices = #map}, {transform_indices = #map}, {transform_indices = #map1}]} {
    %mul3A = arith.constant 16 : i32
    %mul3A_0 = arith.muli %arg0, %mul3A : i32
    %add3A = arith.addi %mul3A_0, %arg1 : i32
    %mul3A_1 = arith.constant 632 : i32
    %mul3A_2 = arith.muli %arg1, %mul3A_1 : i32
    "tpu.region"() ({
      %run_scoped3A = tpu.sem_alloc : memref<!tpu.dma_semaphore, #tpu.memory_space<semaphore_mem>>
      %dma_start3A = arith.constant 0 : i32
      %dma_start3A_14 = tpu.memref_slice %arg8[%mul3A_2, %dma_start3A] : memref<10112x128xf32, #tpu.memory_space<vmem_shared>> -> memref<632x128xf32, #tpu.memory_space<vmem_shared>>
      tpu.enqueue_dma source(%arg3 : memref<632x128xf32, #tpu.memory_space<hbm>>) target(%dma_start3A_14 : memref<632x128xf32, #tpu.memory_space<vmem_shared>>) target_semaphore(%run_scoped3A : memref<!tpu.dma_semaphore, #tpu.memory_space<semaphore_mem>>)
      %dma_wait3A = arith.constant 0 : i32
      %dma_wait3A_15 = tpu.memref_slice %arg8[%mul3A_2, %dma_wait3A] : memref<10112x128xf32, #tpu.memory_space<vmem_shared>> -> memref<632x128xf32, #tpu.memory_space<vmem_shared>>
      tpu.wait_dma2 semaphore(%run_scoped3A : memref<!tpu.dma_semaphore, #tpu.memory_space<semaphore_mem>>) src(%arg3 : memref<632x128xf32, #tpu.memory_space<hbm>>) dst(%dma_wait3A_15 : memref<632x128xf32, #tpu.memory_space<vmem_shared>>)
      tpu.yield
    }) : () -> ()
    "tpu.region"() ({
      %run_scoped3A = tpu.sem_alloc : memref<!tpu.dma_semaphore, #tpu.memory_space<semaphore_mem>>
      tpu.enqueue_dma source(%arg4 : memref<128x128xf32, #tpu.memory_space<hbm>>) target(%arg7 : memref<128x128xf32, #tpu.memory_space<vmem>>) target_semaphore(%run_scoped3A : memref<!tpu.dma_semaphore, #tpu.memory_space<semaphore_mem>>)
      tpu.wait_dma2 semaphore(%run_scoped3A : memref<!tpu.dma_semaphore, #tpu.memory_space<semaphore_mem>>) src(%arg4 : memref<128x128xf32, #tpu.memory_space<hbm>>) dst(%arg7 : memref<128x128xf32, #tpu.memory_space<vmem>>)
      tpu.yield
    }) : () -> ()
    %mul3A_3 = arith.constant 80 : i32
    %mul3A_4 = arith.muli %add3A, %mul3A_3 : i32
    "tpu.region"() ({
      %run_scoped3A = tpu.sem_alloc : memref<!tpu.dma_semaphore, #tpu.memory_space<semaphore_mem>>
      %dma_start3A = arith.constant 0 : i32
      %dma_start3A_14 = tpu.memref_slice %arg2[%mul3A_4, %dma_start3A] : memref<2560x128xi32, #tpu.memory_space<hbm>> -> memref<80x128xi32, #tpu.memory_space<hbm>>
      %dma_start3A_15 = arith.constant 0 : i32
      %dma_start3A_16 = tpu.memref_slice %arg2[%mul3A_4, %dma_start3A_15] : memref<2560x128xi32, #tpu.memory_space<hbm>> -> memref<80x128xi32, #tpu.memory_space<hbm>>
      tpu.enqueue_dma source(%dma_start3A_16 : memref<80x128xi32, #tpu.memory_space<hbm>>) target(%arg6 : memref<80x128xi32, #tpu.memory_space<vmem>>) target_semaphore(%run_scoped3A : memref<!tpu.dma_semaphore, #tpu.memory_space<semaphore_mem>>)
      %dma_wait3A = arith.constant 0 : i32
      %dma_wait3A_17 = tpu.memref_slice %arg2[%mul3A_4, %dma_wait3A] : memref<2560x128xi32, #tpu.memory_space<hbm>> -> memref<80x128xi32, #tpu.memory_space<hbm>>
      %dma_wait3A_18 = arith.constant 0 : i32
      %dma_wait3A_19 = tpu.memref_slice %arg2[%mul3A_4, %dma_wait3A_18] : memref<2560x128xi32, #tpu.memory_space<hbm>> -> memref<80x128xi32, #tpu.memory_space<hbm>>
      tpu.wait_dma2 semaphore(%run_scoped3A : memref<!tpu.dma_semaphore, #tpu.memory_space<semaphore_mem>>) src(%dma_wait3A_19 : memref<80x128xi32, #tpu.memory_space<hbm>>) dst(%arg6 : memref<80x128xi32, #tpu.memory_space<vmem>>)
      tpu.yield
    }) : () -> ()
    %barrier3A = arith.constant 0 : index
    tpu.barrier barrier_id(%barrier3A)
    %scan3A = arith.constant 0 : i32
    %scan3A_5 = arith.constant 80 : i32
    %scan3A_6 = arith.addi %scan3A, %scan3A_5 : i32
    %scan3A_7 = arith.constant 1 : i32
    scf.for %scan3A_14 = %scan3A to %scan3A_6 step %scan3A_7  : i32 {
      %mul3A_15 = arith.constant 1 : i32
      %mul3A_16 = arith.muli %scan3A_14, %mul3A_15 : i32
      %add3A_17 = arith.constant 0 : i32
      %add3A_18 = arith.addi %add3A_17, %mul3A_16 : i32
      "tpu.region"() ({
        %run_scoped3A = tpu.sem_alloc : memref<!tpu.dma_semaphore, #tpu.memory_space<semaphore_mem>>
        %dma_start3A = arith.constant 0 : i32
        %dma_start3A_19 = tpu.memref_slice %arg6[%add3A_18, %dma_start3A] : memref<80x128xi32, #tpu.memory_space<vmem>> -> memref<1x128xi32, #tpu.memory_space<vmem>>
        %dma_start3A_20 = tpu.memref_squeeze %dma_start3A_19 : memref<1x128xi32, #tpu.memory_space<vmem>> -> memref<128xi32, #tpu.memory_space<vmem>>
        %dma_start3A_21 = arith.constant 0 : i32
        %dma_start3A_22 = arith.constant 0 : i32
        %dma_start3A_23 = tpu.memref_slice %arg8[%dma_start3A_21, %dma_start3A_22] : memref<10112x128xf32, #tpu.memory_space<vmem_shared>> -> memref<10112x128xf32, #tpu.memory_space<vmem_shared>>
        tpu.enqueue_indirect_dma source(%arg7 : memref<128x128xf32, #tpu.memory_space<vmem>>) target(%dma_start3A_23 : memref<10112x128xf32, #tpu.memory_space<vmem_shared>>) offsets(%dma_start3A_20 : memref<128xi32, #tpu.memory_space<vmem>>) semaphore(%run_scoped3A : memref<!tpu.dma_semaphore, #tpu.memory_space<semaphore_mem>>) {add = true}
        %dma_wait3A = arith.constant 0 : i32
        %dma_wait3A_24 = tpu.memref_slice %arg6[%add3A_18, %dma_wait3A] : memref<80x128xi32, #tpu.memory_space<vmem>> -> memref<1x128xi32, #tpu.memory_space<vmem>>
        %dma_wait3A_25 = tpu.memref_squeeze %dma_wait3A_24 : memref<1x128xi32, #tpu.memory_space<vmem>> -> memref<128xi32, #tpu.memory_space<vmem>>
        %dma_wait3A_26 = arith.constant 0 : i32
        %dma_wait3A_27 = arith.constant 0 : i32
        %dma_wait3A_28 = tpu.memref_slice %arg8[%dma_wait3A_26, %dma_wait3A_27] : memref<10112x128xf32, #tpu.memory_space<vmem_shared>> -> memref<10112x128xf32, #tpu.memory_space<vmem_shared>>
        tpu.wait_indirect_dma semaphore(%run_scoped3A : memref<!tpu.dma_semaphore, #tpu.memory_space<semaphore_mem>>) src(%arg7 : memref<128x128xf32, #tpu.memory_space<vmem>>) dst(%dma_wait3A_28 : memref<10112x128xf32, #tpu.memory_space<vmem_shared>>)
        tpu.yield
      }) : () -> ()
    }
    %scan3A_8 = arith.constant 80 : i32
    %barrier3A_9 = arith.constant 0 : index
    tpu.barrier barrier_id(%barrier3A_9)
    %mul3A_10 = arith.constant 632 : i32
    %mul3A_11 = arith.muli %arg1, %mul3A_10 : i32
    %mul3A_12 = arith.constant 632 : i32
    %mul3A_13 = arith.muli %arg1, %mul3A_12 : i32
    "tpu.region"() ({
      %run_scoped3A = tpu.sem_alloc : memref<!tpu.dma_semaphore, #tpu.memory_space<semaphore_mem>>
      %dma_start3A = arith.constant 0 : i32
      %dma_start3A_14 = tpu.memref_slice %arg5[%arg0, %mul3A_13, %dma_start3A] : memref<2x10112x128xf32, #tpu.memory_space<hbm>> -> memref<1x632x128xf32, #tpu.memory_space<hbm>>
      %dma_start3A_15 = tpu.memref_squeeze %dma_start3A_14 : memref<1x632x128xf32, #tpu.memory_space<hbm>> -> memref<632x128xf32, #tpu.memory_space<hbm>>
      %dma_start3A_16 = arith.constant 0 : i32
      %dma_start3A_17 = tpu.memref_slice %arg8[%mul3A_11, %dma_start3A_16] : memref<10112x128xf32, #tpu.memory_space<vmem_shared>> -> memref<632x128xf32, #tpu.memory_space<vmem_shared>>
      tpu.enqueue_dma source(%dma_start3A_17 : memref<632x128xf32, #tpu.memory_space<vmem_shared>>) target(%dma_start3A_15 : memref<632x128xf32, #tpu.memory_space<hbm>>) target_semaphore(%run_scoped3A : memref<!tpu.dma_semaphore, #tpu.memory_space<semaphore_mem>>)
      %dma_wait3A = arith.constant 0 : i32
      %dma_wait3A_18 = tpu.memref_slice %arg5[%arg0, %mul3A_13, %dma_wait3A] : memref<2x10112x128xf32, #tpu.memory_space<hbm>> -> memref<1x632x128xf32, #tpu.memory_space<hbm>>
      %dma_wait3A_19 = tpu.memref_squeeze %dma_wait3A_18 : memref<1x632x128xf32, #tpu.memory_space<hbm>> -> memref<632x128xf32, #tpu.memory_space<hbm>>
      %dma_wait3A_20 = arith.constant 0 : i32
      %dma_wait3A_21 = tpu.memref_slice %arg8[%mul3A_11, %dma_wait3A_20] : memref<10112x128xf32, #tpu.memory_space<vmem_shared>> -> memref<632x128xf32, #tpu.memory_space<vmem_shared>>
      tpu.wait_dma2 semaphore(%run_scoped3A : memref<!tpu.dma_semaphore, #tpu.memory_space<semaphore_mem>>) src(%dma_wait3A_21 : memref<632x128xf32, #tpu.memory_space<vmem_shared>>) dst(%dma_wait3A_19 : memref<632x128xf32, #tpu.memory_space<hbm>>)
      tpu.yield
    }) : () -> ()
    return
  }
}

#map = affine_map<(d0, d1) -> (0, 0)>
#map1 = affine_map<(d0, d1) -> (0)>
#map2 = affine_map<(d0, d1) -> (0, 0, 0)>
module attributes {stable_mosaic.version = 14 : i64} {
  func.func @_sc_segsum(%arg0: i32, %arg1: i32, %arg2: memref<10000x128xf32, #tpu.memory_space<hbm>>, %arg3: memref<327680xi32, #tpu.memory_space<hbm>>, %arg4: memref<16x128x128xi32, #tpu.memory_space<hbm>>, %arg5: memref<16x128x128xi32, #tpu.memory_space<hbm>>, %arg6: memref<632x128xf32, #tpu.memory_space<hbm>>, %arg7: memref<2x10112x128xf32, #tpu.memory_space<hbm>>, %arg8: memref<128x128xi32, #tpu.memory_space<vmem>>, %arg9: memref<128xi32, #tpu.memory_space<vmem>>, %arg10: memref<128xi32, #tpu.memory_space<vmem>>, %arg11: memref<128x128xf32, #tpu.memory_space<vmem>>, %arg12: memref<128x128xf32, #tpu.memory_space<vmem>>, %arg13: memref<10112x128xf32, #tpu.memory_space<vmem_shared>>, %arg14: memref<!tpu.dma_semaphore, #tpu.memory_space<semaphore_mem>>, %arg15: memref<!tpu.dma_semaphore, #tpu.memory_space<semaphore_mem>>) attributes {dimension_semantics = [#tpu.dimension_semantics<core_parallel>, #tpu.dimension_semantics<subcore_parallel>], iteration_bounds = array<i64: 2, 16>, scalar_prefetch = 0 : i64, scratch_operands = 8 : i64, tpu.core_type = #tpu.core_type<sc_vector_subcore>, window_params = [{transform_indices = #map}, {transform_indices = #map1}, {transform_indices = #map2}, {transform_indices = #map2}, {transform_indices = #map}, {transform_indices = #map2}]} {
    %mul3A = arith.constant 632 : i32
    %mul3A_0 = arith.muli %arg1, %mul3A : i32
    "tpu.region"() ({
      %run_scoped3A = tpu.sem_alloc : memref<!tpu.dma_semaphore, #tpu.memory_space<semaphore_mem>>
      %dma_start3A = arith.constant 0 : i32
      %dma_start3A_12 = tpu.memref_slice %arg13[%mul3A_0, %dma_start3A] : memref<10112x128xf32, #tpu.memory_space<vmem_shared>> -> memref<632x128xf32, #tpu.memory_space<vmem_shared>>
      tpu.enqueue_dma source(%arg6 : memref<632x128xf32, #tpu.memory_space<hbm>>) target(%dma_start3A_12 : memref<632x128xf32, #tpu.memory_space<vmem_shared>>) target_semaphore(%run_scoped3A : memref<!tpu.dma_semaphore, #tpu.memory_space<semaphore_mem>>)
      %dma_wait3A = arith.constant 0 : i32
      %dma_wait3A_13 = tpu.memref_slice %arg13[%mul3A_0, %dma_wait3A] : memref<10112x128xf32, #tpu.memory_space<vmem_shared>> -> memref<632x128xf32, #tpu.memory_space<vmem_shared>>
      tpu.wait_dma2 semaphore(%run_scoped3A : memref<!tpu.dma_semaphore, #tpu.memory_space<semaphore_mem>>) src(%arg6 : memref<632x128xf32, #tpu.memory_space<hbm>>) dst(%dma_wait3A_13 : memref<632x128xf32, #tpu.memory_space<vmem_shared>>)
      tpu.yield
    }) : () -> ()
    %eq3A = arith.constant 0 : i32
    %eq3A_1 = arith.cmpi eq, %arg0, %eq3A : i32
    %convert_element_type3A = arith.extui %eq3A_1 : i1 to i32
    %cond3A = arith.constant 0 : i32
    %cond3A_2 = arith.cmpi ne, %convert_element_type3A, %cond3A : i32
    scf.if %cond3A_2 {
      %mul3A_12 = arith.constant 32 : i32
      %mul3A_13 = arith.muli %arg1, %mul3A_12 : i32
      "tpu.region"() ({
        %run_scoped3A_34 = tpu.sem_alloc : memref<!tpu.dma_semaphore, #tpu.memory_space<semaphore_mem>>
        %dma_start3A_35 = arith.constant 0 : i32
        %dma_start3A_36 = arith.constant 0 : i32
        %dma_start3A_37 = tpu.memref_slice %arg4[%arg1, %dma_start3A_35, %dma_start3A_36] : memref<16x128x128xi32, #tpu.memory_space<hbm>> -> memref<1x128x128xi32, #tpu.memory_space<hbm>>
        %dma_start3A_38 = tpu.memref_squeeze %dma_start3A_37 : memref<1x128x128xi32, #tpu.memory_space<hbm>> -> memref<128x128xi32, #tpu.memory_space<hbm>>
        %dma_start3A_39 = arith.constant 0 : i32
        %dma_start3A_40 = arith.constant 0 : i32
        %dma_start3A_41 = tpu.memref_slice %arg4[%arg1, %dma_start3A_39, %dma_start3A_40] : memref<16x128x128xi32, #tpu.memory_space<hbm>> -> memref<1x128x128xi32, #tpu.memory_space<hbm>>
        %dma_start3A_42 = tpu.memref_squeeze %dma_start3A_41 : memref<1x128x128xi32, #tpu.memory_space<hbm>> -> memref<128x128xi32, #tpu.memory_space<hbm>>
        tpu.enqueue_dma source(%dma_start3A_42 : memref<128x128xi32, #tpu.memory_space<hbm>>) target(%arg8 : memref<128x128xi32, #tpu.memory_space<vmem>>) target_semaphore(%run_scoped3A_34 : memref<!tpu.dma_semaphore, #tpu.memory_space<semaphore_mem>>)
        %dma_wait3A_43 = arith.constant 0 : i32
        %dma_wait3A_44 = arith.constant 0 : i32
        %dma_wait3A_45 = tpu.memref_slice %arg4[%arg1, %dma_wait3A_43, %dma_wait3A_44] : memref<16x128x128xi32, #tpu.memory_space<hbm>> -> memref<1x128x128xi32, #tpu.memory_space<hbm>>
        %dma_wait3A_46 = tpu.memref_squeeze %dma_wait3A_45 : memref<1x128x128xi32, #tpu.memory_space<hbm>> -> memref<128x128xi32, #tpu.memory_space<hbm>>
        %dma_wait3A_47 = arith.constant 0 : i32
        %dma_wait3A_48 = arith.constant 0 : i32
        %dma_wait3A_49 = tpu.memref_slice %arg4[%arg1, %dma_wait3A_47, %dma_wait3A_48] : memref<16x128x128xi32, #tpu.memory_space<hbm>> -> memref<1x128x128xi32, #tpu.memory_space<hbm>>
        %dma_wait3A_50 = tpu.memref_squeeze %dma_wait3A_49 : memref<1x128x128xi32, #tpu.memory_space<hbm>> -> memref<128x128xi32, #tpu.memory_space<hbm>>
        tpu.wait_dma2 semaphore(%run_scoped3A_34 : memref<!tpu.dma_semaphore, #tpu.memory_space<semaphore_mem>>) src(%dma_wait3A_50 : memref<128x128xi32, #tpu.memory_space<hbm>>) dst(%arg8 : memref<128x128xi32, #tpu.memory_space<vmem>>)
        tpu.yield
      }) : () -> ()
      %mul3A_14 = arith.constant 128 : i32
      %mul3A_15 = arith.muli %mul3A_13, %mul3A_14 : i32
      %add3A = arith.constant 0 : i32
      %add3A_16 = arith.addi %mul3A_15, %add3A : i32
      "tpu.region"() ({
        %run_scoped3A_34 = tpu.sem_alloc : memref<!tpu.dma_semaphore, #tpu.memory_space<semaphore_mem>>
        %dma_start3A_35 = tpu.memref_slice %arg3[%add3A_16] : memref<327680xi32, #tpu.memory_space<hbm>> -> memref<128xi32, #tpu.memory_space<hbm>>
        %dma_start3A_36 = tpu.memref_slice %arg3[%add3A_16] : memref<327680xi32, #tpu.memory_space<hbm>> -> memref<128xi32, #tpu.memory_space<hbm>>
        tpu.enqueue_dma source(%dma_start3A_36 : memref<128xi32, #tpu.memory_space<hbm>>) target(%arg9 : memref<128xi32, #tpu.memory_space<vmem>>) target_semaphore(%run_scoped3A_34 : memref<!tpu.dma_semaphore, #tpu.memory_space<semaphore_mem>>)
        %dma_wait3A_37 = tpu.memref_slice %arg3[%add3A_16] : memref<327680xi32, #tpu.memory_space<hbm>> -> memref<128xi32, #tpu.memory_space<hbm>>
        %dma_wait3A_38 = tpu.memref_slice %arg3[%add3A_16] : memref<327680xi32, #tpu.memory_space<hbm>> -> memref<128xi32, #tpu.memory_space<hbm>>
        tpu.wait_dma2 semaphore(%run_scoped3A_34 : memref<!tpu.dma_semaphore, #tpu.memory_space<semaphore_mem>>) src(%dma_wait3A_38 : memref<128xi32, #tpu.memory_space<hbm>>) dst(%arg9 : memref<128xi32, #tpu.memory_space<vmem>>)
        tpu.yield
      }) : () -> ()
      %dma_start3A = arith.constant 0 : i32
      %dma_start3A_17 = arith.constant 0 : i32
      %dma_start3A_18 = tpu.memref_slice %arg2[%dma_start3A, %dma_start3A_17] : memref<10000x128xf32, #tpu.memory_space<hbm>> -> memref<10000x128xf32, #tpu.memory_space<hbm>>
      tpu.enqueue_indirect_dma source(%dma_start3A_18 : memref<10000x128xf32, #tpu.memory_space<hbm>>) target(%arg11 : memref<128x128xf32, #tpu.memory_space<vmem>>) offsets(%arg9 : memref<128xi32, #tpu.memory_space<vmem>>) semaphore(%arg14 : memref<!tpu.dma_semaphore, #tpu.memory_space<semaphore_mem>>)
      %add3A_19 = arith.constant 128 : i32
      %add3A_20 = arith.addi %mul3A_15, %add3A_19 : i32
      "tpu.region"() ({
        %run_scoped3A_34 = tpu.sem_alloc : memref<!tpu.dma_semaphore, #tpu.memory_space<semaphore_mem>>
        %dma_start3A_35 = tpu.memref_slice %arg3[%add3A_20] : memref<327680xi32, #tpu.memory_space<hbm>> -> memref<128xi32, #tpu.memory_space<hbm>>
        %dma_start3A_36 = tpu.memref_slice %arg3[%add3A_20] : memref<327680xi32, #tpu.memory_space<hbm>> -> memref<128xi32, #tpu.memory_space<hbm>>
        tpu.enqueue_dma source(%dma_start3A_36 : memref<128xi32, #tpu.memory_space<hbm>>) target(%arg10 : memref<128xi32, #tpu.memory_space<vmem>>) target_semaphore(%run_scoped3A_34 : memref<!tpu.dma_semaphore, #tpu.memory_space<semaphore_mem>>)
        %dma_wait3A_37 = tpu.memref_slice %arg3[%add3A_20] : memref<327680xi32, #tpu.memory_space<hbm>> -> memref<128xi32, #tpu.memory_space<hbm>>
        %dma_wait3A_38 = tpu.memref_slice %arg3[%add3A_20] : memref<327680xi32, #tpu.memory_space<hbm>> -> memref<128xi32, #tpu.memory_space<hbm>>
        tpu.wait_dma2 semaphore(%run_scoped3A_34 : memref<!tpu.dma_semaphore, #tpu.memory_space<semaphore_mem>>) src(%dma_wait3A_38 : memref<128xi32, #tpu.memory_space<hbm>>) dst(%arg10 : memref<128xi32, #tpu.memory_space<vmem>>)
        tpu.yield
      }) : () -> ()
      %dma_start3A_21 = arith.constant 0 : i32
      %dma_start3A_22 = arith.constant 0 : i32
      %dma_start3A_23 = tpu.memref_slice %arg2[%dma_start3A_21, %dma_start3A_22] : memref<10000x128xf32, #tpu.memory_space<hbm>> -> memref<10000x128xf32, #tpu.memory_space<hbm>>
      tpu.enqueue_indirect_dma source(%dma_start3A_23 : memref<10000x128xf32, #tpu.memory_space<hbm>>) target(%arg12 : memref<128x128xf32, #tpu.memory_space<vmem>>) offsets(%arg10 : memref<128xi32, #tpu.memory_space<vmem>>) semaphore(%arg15 : memref<!tpu.dma_semaphore, #tpu.memory_space<semaphore_mem>>)
      %scan3A = arith.constant 0 : i32
      %scan3A_24 = arith.constant 15 : i32
      %scan3A_25 = arith.addi %scan3A, %scan3A_24 : i32
      %scan3A_26 = arith.constant 1 : i32
      scf.for %scan3A_34 = %scan3A to %scan3A_25 step %scan3A_26  : i32 {
        %mul3A_35 = arith.constant 1 : i32
        %mul3A_36 = arith.muli %scan3A_34, %mul3A_35 : i32
        %add3A_37 = arith.constant 0 : i32
        %add3A_38 = arith.addi %add3A_37, %mul3A_36 : i32
        %mul3A_39 = arith.constant 2 : i32
        %mul3A_40 = arith.muli %add3A_38, %mul3A_39 : i32
        %add3A_41 = arith.constant 0 : i32
        %add3A_42 = arith.addi %mul3A_40, %add3A_41 : i32
        %dma_wait3A_43 = arith.constant 0 : i32
        %dma_wait3A_44 = arith.constant 0 : i32
        %dma_wait3A_45 = tpu.memref_slice %arg2[%dma_wait3A_43, %dma_wait3A_44] : memref<10000x128xf32, #tpu.memory_space<hbm>> -> memref<10000x128xf32, #tpu.memory_space<hbm>>
        tpu.wait_indirect_dma semaphore(%arg14 : memref<!tpu.dma_semaphore, #tpu.memory_space<semaphore_mem>>) src(%dma_wait3A_45 : memref<10000x128xf32, #tpu.memory_space<hbm>>) dst(%arg11 : memref<128x128xf32, #tpu.memory_space<vmem>>)
        "tpu.region"() ({
          %run_scoped3A_67 = tpu.sem_alloc : memref<!tpu.dma_semaphore, #tpu.memory_space<semaphore_mem>>
          %dma_start3A_68 = arith.constant 0 : i32
          %dma_start3A_69 = tpu.memref_slice %arg8[%add3A_42, %dma_start3A_68] : memref<128x128xi32, #tpu.memory_space<vmem>> -> memref<1x128xi32, #tpu.memory_space<vmem>>
          %dma_start3A_70 = tpu.memref_squeeze %dma_start3A_69 : memref<1x128xi32, #tpu.memory_space<vmem>> -> memref<128xi32, #tpu.memory_space<vmem>>
          %dma_start3A_71 = arith.constant 0 : i32
          %dma_start3A_72 = arith.constant 0 : i32
          %dma_start3A_73 = tpu.memref_slice %arg13[%dma_start3A_71, %dma_start3A_72] : memref<10112x128xf32, #tpu.memory_space<vmem_shared>> -> memref<10112x128xf32, #tpu.memory_space<vmem_shared>>
          tpu.enqueue_indirect_dma source(%arg11 : memref<128x128xf32, #tpu.memory_space<vmem>>) target(%dma_start3A_73 : memref<10112x128xf32, #tpu.memory_space<vmem_shared>>) offsets(%dma_start3A_70 : memref<128xi32, #tpu.memory_space<vmem>>) semaphore(%run_scoped3A_67 : memref<!tpu.dma_semaphore, #tpu.memory_space<semaphore_mem>>) {add = true}
          %dma_wait3A_74 = arith.constant 0 : i32
          %dma_wait3A_75 = tpu.memref_slice %arg8[%add3A_42, %dma_wait3A_74] : memref<128x128xi32, #tpu.memory_space<vmem>> -> memref<1x128xi32, #tpu.memory_space<vmem>>
          %dma_wait3A_76 = tpu.memref_squeeze %dma_wait3A_75 : memref<1x128xi32, #tpu.memory_space<vmem>> -> memref<128xi32, #tpu.memory_space<vmem>>
          %dma_wait3A_77 = arith.constant 0 : i32
          %dma_wait3A_78 = arith.constant 0 : i32
          %dma_wait3A_79 = tpu.memref_slice %arg13[%dma_wait3A_77, %dma_wait3A_78] : memref<10112x128xf32, #tpu.memory_space<vmem_shared>> -> memref<10112x128xf32, #tpu.memory_space<vmem_shared>>
          tpu.wait_indirect_dma semaphore(%run_scoped3A_67 : memref<!tpu.dma_semaphore, #tpu.memory_space<semaphore_mem>>) src(%arg11 : memref<128x128xf32, #tpu.memory_space<vmem>>) dst(%dma_wait3A_79 : memref<10112x128xf32, #tpu.memory_space<vmem_shared>>)
          tpu.yield
        }) : () -> ()
        %add3A_46 = arith.constant 2 : i32
        %add3A_47 = arith.addi %add3A_42, %add3A_46 : i32
        %mul3A_48 = arith.constant 128 : i32
        %mul3A_49 = arith.muli %add3A_47, %mul3A_48 : i32
        %add3A_50 = arith.addi %mul3A_15, %mul3A_49 : i32
        "tpu.region"() ({
          %run_scoped3A_67 = tpu.sem_alloc : memref<!tpu.dma_semaphore, #tpu.memory_space<semaphore_mem>>
          %dma_start3A_68 = tpu.memref_slice %arg3[%add3A_50] : memref<327680xi32, #tpu.memory_space<hbm>> -> memref<128xi32, #tpu.memory_space<hbm>>
          %dma_start3A_69 = tpu.memref_slice %arg3[%add3A_50] : memref<327680xi32, #tpu.memory_space<hbm>> -> memref<128xi32, #tpu.memory_space<hbm>>
          tpu.enqueue_dma source(%dma_start3A_69 : memref<128xi32, #tpu.memory_space<hbm>>) target(%arg9 : memref<128xi32, #tpu.memory_space<vmem>>) target_semaphore(%run_scoped3A_67 : memref<!tpu.dma_semaphore, #tpu.memory_space<semaphore_mem>>)
          %dma_wait3A_70 = tpu.memref_slice %arg3[%add3A_50] : memref<327680xi32, #tpu.memory_space<hbm>> -> memref<128xi32, #tpu.memory_space<hbm>>
          %dma_wait3A_71 = tpu.memref_slice %arg3[%add3A_50] : memref<327680xi32, #tpu.memory_space<hbm>> -> memref<128xi32, #tpu.memory_space<hbm>>
          tpu.wait_dma2 semaphore(%run_scoped3A_67 : memref<!tpu.dma_semaphore, #tpu.memory_space<semaphore_mem>>) src(%dma_wait3A_71 : memref<128xi32, #tpu.memory_space<hbm>>) dst(%arg9 : memref<128xi32, #tpu.memory_space<vmem>>)
          tpu.yield
        }) : () -> ()
        %dma_start3A_51 = arith.constant 0 : i32
        %dma_start3A_52 = arith.constant 0 : i32
        %dma_start3A_53 = tpu.memref_slice %arg2[%dma_start3A_51, %dma_start3A_52] : memref<10000x128xf32, #tpu.memory_space<hbm>> -> memref<10000x128xf32, #tpu.memory_space<hbm>>
        tpu.enqueue_indirect_dma source(%dma_start3A_53 : memref<10000x128xf32, #tpu.memory_space<hbm>>) target(%arg11 : memref<128x128xf32, #tpu.memory_space<vmem>>) offsets(%arg9 : memref<128xi32, #tpu.memory_space<vmem>>) semaphore(%arg14 : memref<!tpu.dma_semaphore, #tpu.memory_space<semaphore_mem>>)
        %add3A_54 = arith.constant 1 : i32
        %add3A_55 = arith.addi %mul3A_40, %add3A_54 : i32
        %dma_wait3A_56 = arith.constant 0 : i32
        %dma_wait3A_57 = arith.constant 0 : i32
        %dma_wait3A_58 = tpu.memref_slice %arg2[%dma_wait3A_56, %dma_wait3A_57] : memref<10000x128xf32, #tpu.memory_space<hbm>> -> memref<10000x128xf32, #tpu.memory_space<hbm>>
        tpu.wait_indirect_dma semaphore(%arg15 : memref<!tpu.dma_semaphore, #tpu.memory_space<semaphore_mem>>) src(%dma_wait3A_58 : memref<10000x128xf32, #tpu.memory_space<hbm>>) dst(%arg12 : memref<128x128xf32, #tpu.memory_space<vmem>>)
        "tpu.region"() ({
          %run_scoped3A_67 = tpu.sem_alloc : memref<!tpu.dma_semaphore, #tpu.memory_space<semaphore_mem>>
          %dma_start3A_68 = arith.constant 0 : i32
          %dma_start3A_69 = tpu.memref_slice %arg8[%add3A_55, %dma_start3A_68] : memref<128x128xi32, #tpu.memory_space<vmem>> -> memref<1x128xi32, #tpu.memory_space<vmem>>
          %dma_start3A_70 = tpu.memref_squeeze %dma_start3A_69 : memref<1x128xi32, #tpu.memory_space<vmem>> -> memref<128xi32, #tpu.memory_space<vmem>>
          %dma_start3A_71 = arith.constant 0 : i32
          %dma_start3A_72 = arith.constant 0 : i32
          %dma_start3A_73 = tpu.memref_slice %arg13[%dma_start3A_71, %dma_start3A_72] : memref<10112x128xf32, #tpu.memory_space<vmem_shared>> -> memref<10112x128xf32, #tpu.memory_space<vmem_shared>>
          tpu.enqueue_indirect_dma source(%arg12 : memref<128x128xf32, #tpu.memory_space<vmem>>) target(%dma_start3A_73 : memref<10112x128xf32, #tpu.memory_space<vmem_shared>>) offsets(%dma_start3A_70 : memref<128xi32, #tpu.memory_space<vmem>>) semaphore(%run_scoped3A_67 : memref<!tpu.dma_semaphore, #tpu.memory_space<semaphore_mem>>) {add = true}
          %dma_wait3A_74 = arith.constant 0 : i32
          %dma_wait3A_75 = tpu.memref_slice %arg8[%add3A_55, %dma_wait3A_74] : memref<128x128xi32, #tpu.memory_space<vmem>> -> memref<1x128xi32, #tpu.memory_space<vmem>>
          %dma_wait3A_76 = tpu.memref_squeeze %dma_wait3A_75 : memref<1x128xi32, #tpu.memory_space<vmem>> -> memref<128xi32, #tpu.memory_space<vmem>>
          %dma_wait3A_77 = arith.constant 0 : i32
          %dma_wait3A_78 = arith.constant 0 : i32
          %dma_wait3A_79 = tpu.memref_slice %arg13[%dma_wait3A_77, %dma_wait3A_78] : memref<10112x128xf32, #tpu.memory_space<vmem_shared>> -> memref<10112x128xf32, #tpu.memory_space<vmem_shared>>
          tpu.wait_indirect_dma semaphore(%run_scoped3A_67 : memref<!tpu.dma_semaphore, #tpu.memory_space<semaphore_mem>>) src(%arg12 : memref<128x128xf32, #tpu.memory_space<vmem>>) dst(%dma_wait3A_79 : memref<10112x128xf32, #tpu.memory_space<vmem_shared>>)
          tpu.yield
        }) : () -> ()
        %add3A_59 = arith.constant 2 : i32
        %add3A_60 = arith.addi %add3A_55, %add3A_59 : i32
        %mul3A_61 = arith.constant 128 : i32
        %mul3A_62 = arith.muli %add3A_60, %mul3A_61 : i32
        %add3A_63 = arith.addi %mul3A_15, %mul3A_62 : i32
        "tpu.region"() ({
          %run_scoped3A_67 = tpu.sem_alloc : memref<!tpu.dma_semaphore, #tpu.memory_space<semaphore_mem>>
          %dma_start3A_68 = tpu.memref_slice %arg3[%add3A_63] : memref<327680xi32, #tpu.memory_space<hbm>> -> memref<128xi32, #tpu.memory_space<hbm>>
          %dma_start3A_69 = tpu.memref_slice %arg3[%add3A_63] : memref<327680xi32, #tpu.memory_space<hbm>> -> memref<128xi32, #tpu.memory_space<hbm>>
          tpu.enqueue_dma source(%dma_start3A_69 : memref<128xi32, #tpu.memory_space<hbm>>) target(%arg10 : memref<128xi32, #tpu.memory_space<vmem>>) target_semaphore(%run_scoped3A_67 : memref<!tpu.dma_semaphore, #tpu.memory_space<semaphore_mem>>)
          %dma_wait3A_70 = tpu.memref_slice %arg3[%add3A_63] : memref<327680xi32, #tpu.memory_space<hbm>> -> memref<128xi32, #tpu.memory_space<hbm>>
          %dma_wait3A_71 = tpu.memref_slice %arg3[%add3A_63] : memref<327680xi32, #tpu.memory_space<hbm>> -> memref<128xi32, #tpu.memory_space<hbm>>
          tpu.wait_dma2 semaphore(%run_scoped3A_67 : memref<!tpu.dma_semaphore, #tpu.memory_space<semaphore_mem>>) src(%dma_wait3A_71 : memref<128xi32, #tpu.memory_space<hbm>>) dst(%arg10 : memref<128xi32, #tpu.memory_space<vmem>>)
          tpu.yield
        }) : () -> ()
        %dma_start3A_64 = arith.constant 0 : i32
        %dma_start3A_65 = arith.constant 0 : i32
        %dma_start3A_66 = tpu.memref_slice %arg2[%dma_start3A_64, %dma_start3A_65] : memref<10000x128xf32, #tpu.memory_space<hbm>> -> memref<10000x128xf32, #tpu.memory_space<hbm>>
        tpu.enqueue_indirect_dma source(%dma_start3A_66 : memref<10000x128xf32, #tpu.memory_space<hbm>>) target(%arg12 : memref<128x128xf32, #tpu.memory_space<vmem>>) offsets(%arg10 : memref<128xi32, #tpu.memory_space<vmem>>) semaphore(%arg15 : memref<!tpu.dma_semaphore, #tpu.memory_space<semaphore_mem>>)
      }
      %scan3A_27 = arith.constant 15 : i32
      %dma_wait3A = arith.constant 0 : i32
      %dma_wait3A_28 = arith.constant 0 : i32
      %dma_wait3A_29 = tpu.memref_slice %arg2[%dma_wait3A, %dma_wait3A_28] : memref<10000x128xf32, #tpu.memory_space<hbm>> -> memref<10000x128xf32, #tpu.memory_space<hbm>>
      tpu.wait_indirect_dma semaphore(%arg14 : memref<!tpu.dma_semaphore, #tpu.memory_space<semaphore_mem>>) src(%dma_wait3A_29 : memref<10000x128xf32, #tpu.memory_space<hbm>>) dst(%arg11 : memref<128x128xf32, #tpu.memory_space<vmem>>)
      %run_scoped3A = arith.constant 30 : i32
      "tpu.region"() ({
        %run_scoped3A_34 = tpu.sem_alloc : memref<!tpu.dma_semaphore, #tpu.memory_space<semaphore_mem>>
        %dma_start3A_35 = arith.constant 0 : i32
        %dma_start3A_36 = tpu.memref_slice %arg8[%run_scoped3A, %dma_start3A_35] : memref<128x128xi32, #tpu.memory_space<vmem>> -> memref<1x128xi32, #tpu.memory_space<vmem>>
        %dma_start3A_37 = tpu.memref_squeeze %dma_start3A_36 : memref<1x128xi32, #tpu.memory_space<vmem>> -> memref<128xi32, #tpu.memory_space<vmem>>
        %dma_start3A_38 = arith.constant 0 : i32
        %dma_start3A_39 = arith.constant 0 : i32
        %dma_start3A_40 = tpu.memref_slice %arg13[%dma_start3A_38, %dma_start3A_39] : memref<10112x128xf32, #tpu.memory_space<vmem_shared>> -> memref<10112x128xf32, #tpu.memory_space<vmem_shared>>
        tpu.enqueue_indirect_dma source(%arg11 : memref<128x128xf32, #tpu.memory_space<vmem>>) target(%dma_start3A_40 : memref<10112x128xf32, #tpu.memory_space<vmem_shared>>) offsets(%dma_start3A_37 : memref<128xi32, #tpu.memory_space<vmem>>) semaphore(%run_scoped3A_34 : memref<!tpu.dma_semaphore, #tpu.memory_space<semaphore_mem>>) {add = true}
        %dma_wait3A_41 = arith.constant 0 : i32
        %dma_wait3A_42 = tpu.memref_slice %arg8[%run_scoped3A, %dma_wait3A_41] : memref<128x128xi32, #tpu.memory_space<vmem>> -> memref<1x128xi32, #tpu.memory_space<vmem>>
        %dma_wait3A_43 = tpu.memref_squeeze %dma_wait3A_42 : memref<1x128xi32, #tpu.memory_space<vmem>> -> memref<128xi32, #tpu.memory_space<vmem>>
        %dma_wait3A_44 = arith.constant 0 : i32
        %dma_wait3A_45 = arith.constant 0 : i32
        %dma_wait3A_46 = tpu.memref_slice %arg13[%dma_wait3A_44, %dma_wait3A_45] : memref<10112x128xf32, #tpu.memory_space<vmem_shared>> -> memref<10112x128xf32, #tpu.memory_space<vmem_shared>>
        tpu.wait_indirect_dma semaphore(%run_scoped3A_34 : memref<!tpu.dma_semaphore, #tpu.memory_space<semaphore_mem>>) src(%arg11 : memref<128x128xf32, #tpu.memory_space<vmem>>) dst(%dma_wait3A_46 : memref<10112x128xf32, #tpu.memory_space<vmem_shared>>)
        tpu.yield
      }) : () -> ()
      %dma_wait3A_30 = arith.constant 0 : i32
      %dma_wait3A_31 = arith.constant 0 : i32
      %dma_wait3A_32 = tpu.memref_slice %arg2[%dma_wait3A_30, %dma_wait3A_31] : memref<10000x128xf32, #tpu.memory_space<hbm>> -> memref<10000x128xf32, #tpu.memory_space<hbm>>
      tpu.wait_indirect_dma semaphore(%arg15 : memref<!tpu.dma_semaphore, #tpu.memory_space<semaphore_mem>>) src(%dma_wait3A_32 : memref<10000x128xf32, #tpu.memory_space<hbm>>) dst(%arg12 : memref<128x128xf32, #tpu.memory_space<vmem>>)
      %run_scoped3A_33 = arith.constant 31 : i32
      "tpu.region"() ({
        %run_scoped3A_34 = tpu.sem_alloc : memref<!tpu.dma_semaphore, #tpu.memory_space<semaphore_mem>>
        %dma_start3A_35 = arith.constant 0 : i32
        %dma_start3A_36 = tpu.memref_slice %arg8[%run_scoped3A_33, %dma_start3A_35] : memref<128x128xi32, #tpu.memory_space<vmem>> -> memref<1x128xi32, #tpu.memory_space<vmem>>
        %dma_start3A_37 = tpu.memref_squeeze %dma_start3A_36 : memref<1x128xi32, #tpu.memory_space<vmem>> -> memref<128xi32, #tpu.memory_space<vmem>>
        %dma_start3A_38 = arith.constant 0 : i32
        %dma_start3A_39 = arith.constant 0 : i32
        %dma_start3A_40 = tpu.memref_slice %arg13[%dma_start3A_38, %dma_start3A_39] : memref<10112x128xf32, #tpu.memory_space<vmem_shared>> -> memref<10112x128xf32, #tpu.memory_space<vmem_shared>>
        tpu.enqueue_indirect_dma source(%arg12 : memref<128x128xf32, #tpu.memory_space<vmem>>) target(%dma_start3A_40 : memref<10112x128xf32, #tpu.memory_space<vmem_shared>>) offsets(%dma_start3A_37 : memref<128xi32, #tpu.memory_space<vmem>>) semaphore(%run_scoped3A_34 : memref<!tpu.dma_semaphore, #tpu.memory_space<semaphore_mem>>) {add = true}
        %dma_wait3A_41 = arith.constant 0 : i32
        %dma_wait3A_42 = tpu.memref_slice %arg8[%run_scoped3A_33, %dma_wait3A_41] : memref<128x128xi32, #tpu.memory_space<vmem>> -> memref<1x128xi32, #tpu.memory_space<vmem>>
        %dma_wait3A_43 = tpu.memref_squeeze %dma_wait3A_42 : memref<1x128xi32, #tpu.memory_space<vmem>> -> memref<128xi32, #tpu.memory_space<vmem>>
        %dma_wait3A_44 = arith.constant 0 : i32
        %dma_wait3A_45 = arith.constant 0 : i32
        %dma_wait3A_46 = tpu.memref_slice %arg13[%dma_wait3A_44, %dma_wait3A_45] : memref<10112x128xf32, #tpu.memory_space<vmem_shared>> -> memref<10112x128xf32, #tpu.memory_space<vmem_shared>>
        tpu.wait_indirect_dma semaphore(%run_scoped3A_34 : memref<!tpu.dma_semaphore, #tpu.memory_space<semaphore_mem>>) src(%arg12 : memref<128x128xf32, #tpu.memory_space<vmem>>) dst(%dma_wait3A_46 : memref<10112x128xf32, #tpu.memory_space<vmem_shared>>)
        tpu.yield
      }) : () -> ()
    } else {
    }
    %eq3A_3 = arith.constant 1 : i32
    %eq3A_4 = arith.cmpi eq, %arg0, %eq3A_3 : i32
    %convert_element_type3A_5 = arith.extui %eq3A_4 : i1 to i32
    %cond3A_6 = arith.constant 0 : i32
    %cond3A_7 = arith.cmpi ne, %convert_element_type3A_5, %cond3A_6 : i32
    scf.if %cond3A_7 {
      %mul3A_12 = arith.constant 128 : i32
      %mul3A_13 = arith.muli %arg1, %mul3A_12 : i32
      %add3A = arith.constant 512 : i32
      %add3A_14 = arith.addi %add3A, %mul3A_13 : i32
      "tpu.region"() ({
        %run_scoped3A_36 = tpu.sem_alloc : memref<!tpu.dma_semaphore, #tpu.memory_space<semaphore_mem>>
        %dma_start3A_37 = arith.constant 0 : i32
        %dma_start3A_38 = arith.constant 0 : i32
        %dma_start3A_39 = tpu.memref_slice %arg5[%arg1, %dma_start3A_37, %dma_start3A_38] : memref<16x128x128xi32, #tpu.memory_space<hbm>> -> memref<1x128x128xi32, #tpu.memory_space<hbm>>
        %dma_start3A_40 = tpu.memref_squeeze %dma_start3A_39 : memref<1x128x128xi32, #tpu.memory_space<hbm>> -> memref<128x128xi32, #tpu.memory_space<hbm>>
        %dma_start3A_41 = arith.constant 0 : i32
        %dma_start3A_42 = arith.constant 0 : i32
        %dma_start3A_43 = tpu.memref_slice %arg5[%arg1, %dma_start3A_41, %dma_start3A_42] : memref<16x128x128xi32, #tpu.memory_space<hbm>> -> memref<1x128x128xi32, #tpu.memory_space<hbm>>
        %dma_start3A_44 = tpu.memref_squeeze %dma_start3A_43 : memref<1x128x128xi32, #tpu.memory_space<hbm>> -> memref<128x128xi32, #tpu.memory_space<hbm>>
        tpu.enqueue_dma source(%dma_start3A_44 : memref<128x128xi32, #tpu.memory_space<hbm>>) target(%arg8 : memref<128x128xi32, #tpu.memory_space<vmem>>) target_semaphore(%run_scoped3A_36 : memref<!tpu.dma_semaphore, #tpu.memory_space<semaphore_mem>>)
        %dma_wait3A_45 = arith.constant 0 : i32
        %dma_wait3A_46 = arith.constant 0 : i32
        %dma_wait3A_47 = tpu.memref_slice %arg5[%arg1, %dma_wait3A_45, %dma_wait3A_46] : memref<16x128x128xi32, #tpu.memory_space<hbm>> -> memref<1x128x128xi32, #tpu.memory_space<hbm>>
        %dma_wait3A_48 = tpu.memref_squeeze %dma_wait3A_47 : memref<1x128x128xi32, #tpu.memory_space<hbm>> -> memref<128x128xi32, #tpu.memory_space<hbm>>
        %dma_wait3A_49 = arith.constant 0 : i32
        %dma_wait3A_50 = arith.constant 0 : i32
        %dma_wait3A_51 = tpu.memref_slice %arg5[%arg1, %dma_wait3A_49, %dma_wait3A_50] : memref<16x128x128xi32, #tpu.memory_space<hbm>> -> memref<1x128x128xi32, #tpu.memory_space<hbm>>
        %dma_wait3A_52 = tpu.memref_squeeze %dma_wait3A_51 : memref<1x128x128xi32, #tpu.memory_space<hbm>> -> memref<128x128xi32, #tpu.memory_space<hbm>>
        tpu.wait_dma2 semaphore(%run_scoped3A_36 : memref<!tpu.dma_semaphore, #tpu.memory_space<semaphore_mem>>) src(%dma_wait3A_52 : memref<128x128xi32, #tpu.memory_space<hbm>>) dst(%arg8 : memref<128x128xi32, #tpu.memory_space<vmem>>)
        tpu.yield
      }) : () -> ()
      %mul3A_15 = arith.constant 128 : i32
      %mul3A_16 = arith.muli %add3A_14, %mul3A_15 : i32
      %add3A_17 = arith.constant 0 : i32
      %add3A_18 = arith.addi %mul3A_16, %add3A_17 : i32
      "tpu.region"() ({
        %run_scoped3A_36 = tpu.sem_alloc : memref<!tpu.dma_semaphore, #tpu.memory_space<semaphore_mem>>
        %dma_start3A_37 = tpu.memref_slice %arg3[%add3A_18] : memref<327680xi32, #tpu.memory_space<hbm>> -> memref<128xi32, #tpu.memory_space<hbm>>
        %dma_start3A_38 = tpu.memref_slice %arg3[%add3A_18] : memref<327680xi32, #tpu.memory_space<hbm>> -> memref<128xi32, #tpu.memory_space<hbm>>
        tpu.enqueue_dma source(%dma_start3A_38 : memref<128xi32, #tpu.memory_space<hbm>>) target(%arg9 : memref<128xi32, #tpu.memory_space<vmem>>) target_semaphore(%run_scoped3A_36 : memref<!tpu.dma_semaphore, #tpu.memory_space<semaphore_mem>>)
        %dma_wait3A_39 = tpu.memref_slice %arg3[%add3A_18] : memref<327680xi32, #tpu.memory_space<hbm>> -> memref<128xi32, #tpu.memory_space<hbm>>
        %dma_wait3A_40 = tpu.memref_slice %arg3[%add3A_18] : memref<327680xi32, #tpu.memory_space<hbm>> -> memref<128xi32, #tpu.memory_space<hbm>>
        tpu.wait_dma2 semaphore(%run_scoped3A_36 : memref<!tpu.dma_semaphore, #tpu.memory_space<semaphore_mem>>) src(%dma_wait3A_40 : memref<128xi32, #tpu.memory_space<hbm>>) dst(%arg9 : memref<128xi32, #tpu.memory_space<vmem>>)
        tpu.yield
      }) : () -> ()
      %dma_start3A = arith.constant 0 : i32
      %dma_start3A_19 = arith.constant 0 : i32
      %dma_start3A_20 = tpu.memref_slice %arg2[%dma_start3A, %dma_start3A_19] : memref<10000x128xf32, #tpu.memory_space<hbm>> -> memref<10000x128xf32, #tpu.memory_space<hbm>>
      tpu.enqueue_indirect_dma source(%dma_start3A_20 : memref<10000x128xf32, #tpu.memory_space<hbm>>) target(%arg11 : memref<128x128xf32, #tpu.memory_space<vmem>>) offsets(%arg9 : memref<128xi32, #tpu.memory_space<vmem>>) semaphore(%arg14 : memref<!tpu.dma_semaphore, #tpu.memory_space<semaphore_mem>>)
      %add3A_21 = arith.constant 128 : i32
      %add3A_22 = arith.addi %mul3A_16, %add3A_21 : i32
      "tpu.region"() ({
        %run_scoped3A_36 = tpu.sem_alloc : memref<!tpu.dma_semaphore, #tpu.memory_space<semaphore_mem>>
        %dma_start3A_37 = tpu.memref_slice %arg3[%add3A_22] : memref<327680xi32, #tpu.memory_space<hbm>> -> memref<128xi32, #tpu.memory_space<hbm>>
        %dma_start3A_38 = tpu.memref_slice %arg3[%add3A_22] : memref<327680xi32, #tpu.memory_space<hbm>> -> memref<128xi32, #tpu.memory_space<hbm>>
        tpu.enqueue_dma source(%dma_start3A_38 : memref<128xi32, #tpu.memory_space<hbm>>) target(%arg10 : memref<128xi32, #tpu.memory_space<vmem>>) target_semaphore(%run_scoped3A_36 : memref<!tpu.dma_semaphore, #tpu.memory_space<semaphore_mem>>)
        %dma_wait3A_39 = tpu.memref_slice %arg3[%add3A_22] : memref<327680xi32, #tpu.memory_space<hbm>> -> memref<128xi32, #tpu.memory_space<hbm>>
        %dma_wait3A_40 = tpu.memref_slice %arg3[%add3A_22] : memref<327680xi32, #tpu.memory_space<hbm>> -> memref<128xi32, #tpu.memory_space<hbm>>
        tpu.wait_dma2 semaphore(%run_scoped3A_36 : memref<!tpu.dma_semaphore, #tpu.memory_space<semaphore_mem>>) src(%dma_wait3A_40 : memref<128xi32, #tpu.memory_space<hbm>>) dst(%arg10 : memref<128xi32, #tpu.memory_space<vmem>>)
        tpu.yield
      }) : () -> ()
      %dma_start3A_23 = arith.constant 0 : i32
      %dma_start3A_24 = arith.constant 0 : i32
      %dma_start3A_25 = tpu.memref_slice %arg2[%dma_start3A_23, %dma_start3A_24] : memref<10000x128xf32, #tpu.memory_space<hbm>> -> memref<10000x128xf32, #tpu.memory_space<hbm>>
      tpu.enqueue_indirect_dma source(%dma_start3A_25 : memref<10000x128xf32, #tpu.memory_space<hbm>>) target(%arg12 : memref<128x128xf32, #tpu.memory_space<vmem>>) offsets(%arg10 : memref<128xi32, #tpu.memory_space<vmem>>) semaphore(%arg15 : memref<!tpu.dma_semaphore, #tpu.memory_space<semaphore_mem>>)
      %scan3A = arith.constant 0 : i32
      %scan3A_26 = arith.constant 63 : i32
      %scan3A_27 = arith.addi %scan3A, %scan3A_26 : i32
      %scan3A_28 = arith.constant 1 : i32
      scf.for %scan3A_36 = %scan3A to %scan3A_27 step %scan3A_28  : i32 {
        %mul3A_37 = arith.constant 1 : i32
        %mul3A_38 = arith.muli %scan3A_36, %mul3A_37 : i32
        %add3A_39 = arith.constant 0 : i32
        %add3A_40 = arith.addi %add3A_39, %mul3A_38 : i32
        %mul3A_41 = arith.constant 2 : i32
        %mul3A_42 = arith.muli %add3A_40, %mul3A_41 : i32
        %add3A_43 = arith.constant 0 : i32
        %add3A_44 = arith.addi %mul3A_42, %add3A_43 : i32
        %dma_wait3A_45 = arith.constant 0 : i32
        %dma_wait3A_46 = arith.constant 0 : i32
        %dma_wait3A_47 = tpu.memref_slice %arg2[%dma_wait3A_45, %dma_wait3A_46] : memref<10000x128xf32, #tpu.memory_space<hbm>> -> memref<10000x128xf32, #tpu.memory_space<hbm>>
        tpu.wait_indirect_dma semaphore(%arg14 : memref<!tpu.dma_semaphore, #tpu.memory_space<semaphore_mem>>) src(%dma_wait3A_47 : memref<10000x128xf32, #tpu.memory_space<hbm>>) dst(%arg11 : memref<128x128xf32, #tpu.memory_space<vmem>>)
        "tpu.region"() ({
          %run_scoped3A_69 = tpu.sem_alloc : memref<!tpu.dma_semaphore, #tpu.memory_space<semaphore_mem>>
          %dma_start3A_70 = arith.constant 0 : i32
          %dma_start3A_71 = tpu.memref_slice %arg8[%add3A_44, %dma_start3A_70] : memref<128x128xi32, #tpu.memory_space<vmem>> -> memref<1x128xi32, #tpu.memory_space<vmem>>
          %dma_start3A_72 = tpu.memref_squeeze %dma_start3A_71 : memref<1x128xi32, #tpu.memory_space<vmem>> -> memref<128xi32, #tpu.memory_space<vmem>>
          %dma_start3A_73 = arith.constant 0 : i32
          %dma_start3A_74 = arith.constant 0 : i32
          %dma_start3A_75 = tpu.memref_slice %arg13[%dma_start3A_73, %dma_start3A_74] : memref<10112x128xf32, #tpu.memory_space<vmem_shared>> -> memref<10112x128xf32, #tpu.memory_space<vmem_shared>>
          tpu.enqueue_indirect_dma source(%arg11 : memref<128x128xf32, #tpu.memory_space<vmem>>) target(%dma_start3A_75 : memref<10112x128xf32, #tpu.memory_space<vmem_shared>>) offsets(%dma_start3A_72 : memref<128xi32, #tpu.memory_space<vmem>>) semaphore(%run_scoped3A_69 : memref<!tpu.dma_semaphore, #tpu.memory_space<semaphore_mem>>) {add = true}
          %dma_wait3A_76 = arith.constant 0 : i32
          %dma_wait3A_77 = tpu.memref_slice %arg8[%add3A_44, %dma_wait3A_76] : memref<128x128xi32, #tpu.memory_space<vmem>> -> memref<1x128xi32, #tpu.memory_space<vmem>>
          %dma_wait3A_78 = tpu.memref_squeeze %dma_wait3A_77 : memref<1x128xi32, #tpu.memory_space<vmem>> -> memref<128xi32, #tpu.memory_space<vmem>>
          %dma_wait3A_79 = arith.constant 0 : i32
          %dma_wait3A_80 = arith.constant 0 : i32
          %dma_wait3A_81 = tpu.memref_slice %arg13[%dma_wait3A_79, %dma_wait3A_80] : memref<10112x128xf32, #tpu.memory_space<vmem_shared>> -> memref<10112x128xf32, #tpu.memory_space<vmem_shared>>
          tpu.wait_indirect_dma semaphore(%run_scoped3A_69 : memref<!tpu.dma_semaphore, #tpu.memory_space<semaphore_mem>>) src(%arg11 : memref<128x128xf32, #tpu.memory_space<vmem>>) dst(%dma_wait3A_81 : memref<10112x128xf32, #tpu.memory_space<vmem_shared>>)
          tpu.yield
        }) : () -> ()
        %add3A_48 = arith.constant 2 : i32
        %add3A_49 = arith.addi %add3A_44, %add3A_48 : i32
        %mul3A_50 = arith.constant 128 : i32
        %mul3A_51 = arith.muli %add3A_49, %mul3A_50 : i32
        %add3A_52 = arith.addi %mul3A_16, %mul3A_51 : i32
        "tpu.region"() ({
          %run_scoped3A_69 = tpu.sem_alloc : memref<!tpu.dma_semaphore, #tpu.memory_space<semaphore_mem>>
          %dma_start3A_70 = tpu.memref_slice %arg3[%add3A_52] : memref<327680xi32, #tpu.memory_space<hbm>> -> memref<128xi32, #tpu.memory_space<hbm>>
          %dma_start3A_71 = tpu.memref_slice %arg3[%add3A_52] : memref<327680xi32, #tpu.memory_space<hbm>> -> memref<128xi32, #tpu.memory_space<hbm>>
          tpu.enqueue_dma source(%dma_start3A_71 : memref<128xi32, #tpu.memory_space<hbm>>) target(%arg9 : memref<128xi32, #tpu.memory_space<vmem>>) target_semaphore(%run_scoped3A_69 : memref<!tpu.dma_semaphore, #tpu.memory_space<semaphore_mem>>)
          %dma_wait3A_72 = tpu.memref_slice %arg3[%add3A_52] : memref<327680xi32, #tpu.memory_space<hbm>> -> memref<128xi32, #tpu.memory_space<hbm>>
          %dma_wait3A_73 = tpu.memref_slice %arg3[%add3A_52] : memref<327680xi32, #tpu.memory_space<hbm>> -> memref<128xi32, #tpu.memory_space<hbm>>
          tpu.wait_dma2 semaphore(%run_scoped3A_69 : memref<!tpu.dma_semaphore, #tpu.memory_space<semaphore_mem>>) src(%dma_wait3A_73 : memref<128xi32, #tpu.memory_space<hbm>>) dst(%arg9 : memref<128xi32, #tpu.memory_space<vmem>>)
          tpu.yield
        }) : () -> ()
        %dma_start3A_53 = arith.constant 0 : i32
        %dma_start3A_54 = arith.constant 0 : i32
        %dma_start3A_55 = tpu.memref_slice %arg2[%dma_start3A_53, %dma_start3A_54] : memref<10000x128xf32, #tpu.memory_space<hbm>> -> memref<10000x128xf32, #tpu.memory_space<hbm>>
        tpu.enqueue_indirect_dma source(%dma_start3A_55 : memref<10000x128xf32, #tpu.memory_space<hbm>>) target(%arg11 : memref<128x128xf32, #tpu.memory_space<vmem>>) offsets(%arg9 : memref<128xi32, #tpu.memory_space<vmem>>) semaphore(%arg14 : memref<!tpu.dma_semaphore, #tpu.memory_space<semaphore_mem>>)
        %add3A_56 = arith.constant 1 : i32
        %add3A_57 = arith.addi %mul3A_42, %add3A_56 : i32
        %dma_wait3A_58 = arith.constant 0 : i32
        %dma_wait3A_59 = arith.constant 0 : i32
        %dma_wait3A_60 = tpu.memref_slice %arg2[%dma_wait3A_58, %dma_wait3A_59] : memref<10000x128xf32, #tpu.memory_space<hbm>> -> memref<10000x128xf32, #tpu.memory_space<hbm>>
        tpu.wait_indirect_dma semaphore(%arg15 : memref<!tpu.dma_semaphore, #tpu.memory_space<semaphore_mem>>) src(%dma_wait3A_60 : memref<10000x128xf32, #tpu.memory_space<hbm>>) dst(%arg12 : memref<128x128xf32, #tpu.memory_space<vmem>>)
        "tpu.region"() ({
          %run_scoped3A_69 = tpu.sem_alloc : memref<!tpu.dma_semaphore, #tpu.memory_space<semaphore_mem>>
          %dma_start3A_70 = arith.constant 0 : i32
          %dma_start3A_71 = tpu.memref_slice %arg8[%add3A_57, %dma_start3A_70] : memref<128x128xi32, #tpu.memory_space<vmem>> -> memref<1x128xi32, #tpu.memory_space<vmem>>
          %dma_start3A_72 = tpu.memref_squeeze %dma_start3A_71 : memref<1x128xi32, #tpu.memory_space<vmem>> -> memref<128xi32, #tpu.memory_space<vmem>>
          %dma_start3A_73 = arith.constant 0 : i32
          %dma_start3A_74 = arith.constant 0 : i32
          %dma_start3A_75 = tpu.memref_slice %arg13[%dma_start3A_73, %dma_start3A_74] : memref<10112x128xf32, #tpu.memory_space<vmem_shared>> -> memref<10112x128xf32, #tpu.memory_space<vmem_shared>>
          tpu.enqueue_indirect_dma source(%arg12 : memref<128x128xf32, #tpu.memory_space<vmem>>) target(%dma_start3A_75 : memref<10112x128xf32, #tpu.memory_space<vmem_shared>>) offsets(%dma_start3A_72 : memref<128xi32, #tpu.memory_space<vmem>>) semaphore(%run_scoped3A_69 : memref<!tpu.dma_semaphore, #tpu.memory_space<semaphore_mem>>) {add = true}
          %dma_wait3A_76 = arith.constant 0 : i32
          %dma_wait3A_77 = tpu.memref_slice %arg8[%add3A_57, %dma_wait3A_76] : memref<128x128xi32, #tpu.memory_space<vmem>> -> memref<1x128xi32, #tpu.memory_space<vmem>>
          %dma_wait3A_78 = tpu.memref_squeeze %dma_wait3A_77 : memref<1x128xi32, #tpu.memory_space<vmem>> -> memref<128xi32, #tpu.memory_space<vmem>>
          %dma_wait3A_79 = arith.constant 0 : i32
          %dma_wait3A_80 = arith.constant 0 : i32
          %dma_wait3A_81 = tpu.memref_slice %arg13[%dma_wait3A_79, %dma_wait3A_80] : memref<10112x128xf32, #tpu.memory_space<vmem_shared>> -> memref<10112x128xf32, #tpu.memory_space<vmem_shared>>
          tpu.wait_indirect_dma semaphore(%run_scoped3A_69 : memref<!tpu.dma_semaphore, #tpu.memory_space<semaphore_mem>>) src(%arg12 : memref<128x128xf32, #tpu.memory_space<vmem>>) dst(%dma_wait3A_81 : memref<10112x128xf32, #tpu.memory_space<vmem_shared>>)
          tpu.yield
        }) : () -> ()
        %add3A_61 = arith.constant 2 : i32
        %add3A_62 = arith.addi %add3A_57, %add3A_61 : i32
        %mul3A_63 = arith.constant 128 : i32
        %mul3A_64 = arith.muli %add3A_62, %mul3A_63 : i32
        %add3A_65 = arith.addi %mul3A_16, %mul3A_64 : i32
        "tpu.region"() ({
          %run_scoped3A_69 = tpu.sem_alloc : memref<!tpu.dma_semaphore, #tpu.memory_space<semaphore_mem>>
          %dma_start3A_70 = tpu.memref_slice %arg3[%add3A_65] : memref<327680xi32, #tpu.memory_space<hbm>> -> memref<128xi32, #tpu.memory_space<hbm>>
          %dma_start3A_71 = tpu.memref_slice %arg3[%add3A_65] : memref<327680xi32, #tpu.memory_space<hbm>> -> memref<128xi32, #tpu.memory_space<hbm>>
          tpu.enqueue_dma source(%dma_start3A_71 : memref<128xi32, #tpu.memory_space<hbm>>) target(%arg10 : memref<128xi32, #tpu.memory_space<vmem>>) target_semaphore(%run_scoped3A_69 : memref<!tpu.dma_semaphore, #tpu.memory_space<semaphore_mem>>)
          %dma_wait3A_72 = tpu.memref_slice %arg3[%add3A_65] : memref<327680xi32, #tpu.memory_space<hbm>> -> memref<128xi32, #tpu.memory_space<hbm>>
          %dma_wait3A_73 = tpu.memref_slice %arg3[%add3A_65] : memref<327680xi32, #tpu.memory_space<hbm>> -> memref<128xi32, #tpu.memory_space<hbm>>
          tpu.wait_dma2 semaphore(%run_scoped3A_69 : memref<!tpu.dma_semaphore, #tpu.memory_space<semaphore_mem>>) src(%dma_wait3A_73 : memref<128xi32, #tpu.memory_space<hbm>>) dst(%arg10 : memref<128xi32, #tpu.memory_space<vmem>>)
          tpu.yield
        }) : () -> ()
        %dma_start3A_66 = arith.constant 0 : i32
        %dma_start3A_67 = arith.constant 0 : i32
        %dma_start3A_68 = tpu.memref_slice %arg2[%dma_start3A_66, %dma_start3A_67] : memref<10000x128xf32, #tpu.memory_space<hbm>> -> memref<10000x128xf32, #tpu.memory_space<hbm>>
        tpu.enqueue_indirect_dma source(%dma_start3A_68 : memref<10000x128xf32, #tpu.memory_space<hbm>>) target(%arg12 : memref<128x128xf32, #tpu.memory_space<vmem>>) offsets(%arg10 : memref<128xi32, #tpu.memory_space<vmem>>) semaphore(%arg15 : memref<!tpu.dma_semaphore, #tpu.memory_space<semaphore_mem>>)
      }
      %scan3A_29 = arith.constant 63 : i32
      %dma_wait3A = arith.constant 0 : i32
      %dma_wait3A_30 = arith.constant 0 : i32
      %dma_wait3A_31 = tpu.memref_slice %arg2[%dma_wait3A, %dma_wait3A_30] : memref<10000x128xf32, #tpu.memory_space<hbm>> -> memref<10000x128xf32, #tpu.memory_space<hbm>>
      tpu.wait_indirect_dma semaphore(%arg14 : memref<!tpu.dma_semaphore, #tpu.memory_space<semaphore_mem>>) src(%dma_wait3A_31 : memref<10000x128xf32, #tpu.memory_space<hbm>>) dst(%arg11 : memref<128x128xf32, #tpu.memory_space<vmem>>)
      %run_scoped3A = arith.constant 126 : i32
      "tpu.region"() ({
        %run_scoped3A_36 = tpu.sem_alloc : memref<!tpu.dma_semaphore, #tpu.memory_space<semaphore_mem>>
        %dma_start3A_37 = arith.constant 0 : i32
        %dma_start3A_38 = tpu.memref_slice %arg8[%run_scoped3A, %dma_start3A_37] : memref<128x128xi32, #tpu.memory_space<vmem>> -> memref<1x128xi32, #tpu.memory_space<vmem>>
        %dma_start3A_39 = tpu.memref_squeeze %dma_start3A_38 : memref<1x128xi32, #tpu.memory_space<vmem>> -> memref<128xi32, #tpu.memory_space<vmem>>
        %dma_start3A_40 = arith.constant 0 : i32
        %dma_start3A_41 = arith.constant 0 : i32
        %dma_start3A_42 = tpu.memref_slice %arg13[%dma_start3A_40, %dma_start3A_41] : memref<10112x128xf32, #tpu.memory_space<vmem_shared>> -> memref<10112x128xf32, #tpu.memory_space<vmem_shared>>
        tpu.enqueue_indirect_dma source(%arg11 : memref<128x128xf32, #tpu.memory_space<vmem>>) target(%dma_start3A_42 : memref<10112x128xf32, #tpu.memory_space<vmem_shared>>) offsets(%dma_start3A_39 : memref<128xi32, #tpu.memory_space<vmem>>) semaphore(%run_scoped3A_36 : memref<!tpu.dma_semaphore, #tpu.memory_space<semaphore_mem>>) {add = true}
        %dma_wait3A_43 = arith.constant 0 : i32
        %dma_wait3A_44 = tpu.memref_slice %arg8[%run_scoped3A, %dma_wait3A_43] : memref<128x128xi32, #tpu.memory_space<vmem>> -> memref<1x128xi32, #tpu.memory_space<vmem>>
        %dma_wait3A_45 = tpu.memref_squeeze %dma_wait3A_44 : memref<1x128xi32, #tpu.memory_space<vmem>> -> memref<128xi32, #tpu.memory_space<vmem>>
        %dma_wait3A_46 = arith.constant 0 : i32
        %dma_wait3A_47 = arith.constant 0 : i32
        %dma_wait3A_48 = tpu.memref_slice %arg13[%dma_wait3A_46, %dma_wait3A_47] : memref<10112x128xf32, #tpu.memory_space<vmem_shared>> -> memref<10112x128xf32, #tpu.memory_space<vmem_shared>>
        tpu.wait_indirect_dma semaphore(%run_scoped3A_36 : memref<!tpu.dma_semaphore, #tpu.memory_space<semaphore_mem>>) src(%arg11 : memref<128x128xf32, #tpu.memory_space<vmem>>) dst(%dma_wait3A_48 : memref<10112x128xf32, #tpu.memory_space<vmem_shared>>)
        tpu.yield
      }) : () -> ()
      %dma_wait3A_32 = arith.constant 0 : i32
      %dma_wait3A_33 = arith.constant 0 : i32
      %dma_wait3A_34 = tpu.memref_slice %arg2[%dma_wait3A_32, %dma_wait3A_33] : memref<10000x128xf32, #tpu.memory_space<hbm>> -> memref<10000x128xf32, #tpu.memory_space<hbm>>
      tpu.wait_indirect_dma semaphore(%arg15 : memref<!tpu.dma_semaphore, #tpu.memory_space<semaphore_mem>>) src(%dma_wait3A_34 : memref<10000x128xf32, #tpu.memory_space<hbm>>) dst(%arg12 : memref<128x128xf32, #tpu.memory_space<vmem>>)
      %run_scoped3A_35 = arith.constant 127 : i32
      "tpu.region"() ({
        %run_scoped3A_36 = tpu.sem_alloc : memref<!tpu.dma_semaphore, #tpu.memory_space<semaphore_mem>>
        %dma_start3A_37 = arith.constant 0 : i32
        %dma_start3A_38 = tpu.memref_slice %arg8[%run_scoped3A_35, %dma_start3A_37] : memref<128x128xi32, #tpu.memory_space<vmem>> -> memref<1x128xi32, #tpu.memory_space<vmem>>
        %dma_start3A_39 = tpu.memref_squeeze %dma_start3A_38 : memref<1x128xi32, #tpu.memory_space<vmem>> -> memref<128xi32, #tpu.memory_space<vmem>>
        %dma_start3A_40 = arith.constant 0 : i32
        %dma_start3A_41 = arith.constant 0 : i32
        %dma_start3A_42 = tpu.memref_slice %arg13[%dma_start3A_40, %dma_start3A_41] : memref<10112x128xf32, #tpu.memory_space<vmem_shared>> -> memref<10112x128xf32, #tpu.memory_space<vmem_shared>>
        tpu.enqueue_indirect_dma source(%arg12 : memref<128x128xf32, #tpu.memory_space<vmem>>) target(%dma_start3A_42 : memref<10112x128xf32, #tpu.memory_space<vmem_shared>>) offsets(%dma_start3A_39 : memref<128xi32, #tpu.memory_space<vmem>>) semaphore(%run_scoped3A_36 : memref<!tpu.dma_semaphore, #tpu.memory_space<semaphore_mem>>) {add = true}
        %dma_wait3A_43 = arith.constant 0 : i32
        %dma_wait3A_44 = tpu.memref_slice %arg8[%run_scoped3A_35, %dma_wait3A_43] : memref<128x128xi32, #tpu.memory_space<vmem>> -> memref<1x128xi32, #tpu.memory_space<vmem>>
        %dma_wait3A_45 = tpu.memref_squeeze %dma_wait3A_44 : memref<1x128xi32, #tpu.memory_space<vmem>> -> memref<128xi32, #tpu.memory_space<vmem>>
        %dma_wait3A_46 = arith.constant 0 : i32
        %dma_wait3A_47 = arith.constant 0 : i32
        %dma_wait3A_48 = tpu.memref_slice %arg13[%dma_wait3A_46, %dma_wait3A_47] : memref<10112x128xf32, #tpu.memory_space<vmem_shared>> -> memref<10112x128xf32, #tpu.memory_space<vmem_shared>>
        tpu.wait_indirect_dma semaphore(%run_scoped3A_36 : memref<!tpu.dma_semaphore, #tpu.memory_space<semaphore_mem>>) src(%arg12 : memref<128x128xf32, #tpu.memory_space<vmem>>) dst(%dma_wait3A_48 : memref<10112x128xf32, #tpu.memory_space<vmem_shared>>)
        tpu.yield
      }) : () -> ()
    } else {
    }
    %barrier3A = arith.constant 0 : index
    tpu.barrier barrier_id(%barrier3A)
    %mul3A_8 = arith.constant 632 : i32
    %mul3A_9 = arith.muli %arg1, %mul3A_8 : i32
    %mul3A_10 = arith.constant 632 : i32
    %mul3A_11 = arith.muli %arg1, %mul3A_10 : i32
    "tpu.region"() ({
      %run_scoped3A = tpu.sem_alloc : memref<!tpu.dma_semaphore, #tpu.memory_space<semaphore_mem>>
      %dma_start3A = arith.constant 0 : i32
      %dma_start3A_12 = tpu.memref_slice %arg7[%arg0, %mul3A_11, %dma_start3A] : memref<2x10112x128xf32, #tpu.memory_space<hbm>> -> memref<1x632x128xf32, #tpu.memory_space<hbm>>
      %dma_start3A_13 = tpu.memref_squeeze %dma_start3A_12 : memref<1x632x128xf32, #tpu.memory_space<hbm>> -> memref<632x128xf32, #tpu.memory_space<hbm>>
      %dma_start3A_14 = arith.constant 0 : i32
      %dma_start3A_15 = tpu.memref_slice %arg13[%mul3A_9, %dma_start3A_14] : memref<10112x128xf32, #tpu.memory_space<vmem_shared>> -> memref<632x128xf32, #tpu.memory_space<vmem_shared>>
      tpu.enqueue_dma source(%dma_start3A_15 : memref<632x128xf32, #tpu.memory_space<vmem_shared>>) target(%dma_start3A_13 : memref<632x128xf32, #tpu.memory_space<hbm>>) target_semaphore(%run_scoped3A : memref<!tpu.dma_semaphore, #tpu.memory_space<semaphore_mem>>)
      %dma_wait3A = arith.constant 0 : i32
      %dma_wait3A_16 = tpu.memref_slice %arg7[%arg0, %mul3A_11, %dma_wait3A] : memref<2x10112x128xf32, #tpu.memory_space<hbm>> -> memref<1x632x128xf32, #tpu.memory_space<hbm>>
      %dma_wait3A_17 = tpu.memref_squeeze %dma_wait3A_16 : memref<1x632x128xf32, #tpu.memory_space<hbm>> -> memref<632x128xf32, #tpu.memory_space<hbm>>
      %dma_wait3A_18 = arith.constant 0 : i32
      %dma_wait3A_19 = tpu.memref_slice %arg13[%mul3A_9, %dma_wait3A_18] : memref<10112x128xf32, #tpu.memory_space<vmem_shared>> -> memref<632x128xf32, #tpu.memory_space<vmem_shared>>
      tpu.wait_dma2 semaphore(%run_scoped3A : memref<!tpu.dma_semaphore, #tpu.memory_space<semaphore_mem>>) src(%dma_wait3A_19 : memref<632x128xf32, #tpu.memory_space<vmem_shared>>) dst(%dma_wait3A_17 : memref<632x128xf32, #tpu.memory_space<hbm>>)
      tpu.yield
    }) : () -> ()
    return
  }
}

module attributes {stable_mosaic.version = 14 : i64} {
  func.func @_pre_body(%arg0: memref<10000x128xf32, #tpu.memory_space<vmem>>, %arg1: memref<128x128xf32, #tpu.memory_space<vmem>>, %arg2: memref<128x128xf32, #tpu.memory_space<vmem>>, %arg3: memref<1x128xf32, #tpu.memory_space<vmem>>, %arg4: memref<10000x128xf32, #tpu.memory_space<vmem>>, %arg5: memref<10000x128xf32, #tpu.memory_space<vmem>>) attributes {dimension_semantics = [], scalar_prefetch = 0 : i64, scratch_operands = 0 : i64, tpu.core_type = #tpu.core_type<tc>} {
    %get3A = arith.constant 0 : index
    %get3A_0 = arith.constant 0 : index
    %get3A_1 = vector.load %arg0[%get3A, %get3A_0] : memref<10000x128xf32, #tpu.memory_space<vmem>>, vector<10000x128xf32>
    %get3A_2 = arith.constant 0 : index
    %get3A_3 = arith.constant 0 : index
    %get3A_4 = vector.load %arg1[%get3A_2, %get3A_3] : memref<128x128xf32, #tpu.memory_space<vmem>>, vector<128x128xf32>
    %dot_general3A = arith.constant dense<0.000000e+00> : vector<10000x128xf32>
    %dot_general3A_5 = tpu.matmul %get3A_1, %get3A_4, %dot_general3A {dimension_numbers = #tpu.dot_dimension_numbers<[1], [0], [0], [1], [0, 0, 1, 1], [], []>, precision = #tpu.contract_precision<fp32>, transpose_lhs_hint = false} : vector<10000x128xf32>, vector<128x128xf32>, vector<10000x128xf32> -> vector<10000x128xf32>
    %swap3A = arith.constant 0 : index
    %swap3A_6 = arith.constant 0 : index
    %swap3A_7 = vector.load %arg4[%swap3A, %swap3A_6] : memref<10000x128xf32, #tpu.memory_space<vmem>>, vector<10000x128xf32>
    tpu.vector_store %arg4[%swap3A, %swap3A_6], %dot_general3A_5 {strides = array<i32>} : memref<10000x128xf32, #tpu.memory_space<vmem>>, vector<10000x128xf32>,
    %get3A_8 = arith.constant 0 : index
    %get3A_9 = arith.constant 0 : index
    %get3A_10 = vector.load %arg2[%get3A_8, %get3A_9] : memref<128x128xf32, #tpu.memory_space<vmem>>, vector<128x128xf32>
    %dot_general3A_11 = arith.constant dense<0.000000e+00> : vector<10000x128xf32>
    %dot_general3A_12 = tpu.matmul %get3A_1, %get3A_10, %dot_general3A_11 {dimension_numbers = #tpu.dot_dimension_numbers<[1], [0], [0], [1], [0, 0, 1, 1], [], []>, precision = #tpu.contract_precision<fp32>, transpose_lhs_hint = false} : vector<10000x128xf32>, vector<128x128xf32>, vector<10000x128xf32> -> vector<10000x128xf32>
    %get3A_13 = arith.constant 0 : index
    %get3A_14 = arith.constant 0 : index
    %get3A_15 = vector.load %arg3[%get3A_13, %get3A_14] : memref<1x128xf32, #tpu.memory_space<vmem>>, vector<1x128xf32>
    %add3A = vector.broadcast %get3A_15 : vector<1x128xf32> to vector<10000x128xf32>
    %add3A_16 = arith.addf %dot_general3A_12, %add3A : vector<10000x128xf32>
    %swap3A_17 = arith.constant 0 : index
    %swap3A_18 = arith.constant 0 : index
    %swap3A_19 = vector.load %arg5[%swap3A_17, %swap3A_18] : memref<10000x128xf32, #tpu.memory_space<vmem>>, vector<10000x128xf32>
    tpu.vector_store %arg5[%swap3A_17, %swap3A_18], %add3A_16 {strides = array<i32>} : memref<10000x128xf32, #tpu.memory_space<vmem>>, vector<10000x128xf32>,
    return
  }
}

module attributes {stable_mosaic.version = 14 : i64} {
  func.func @_mid2_body(%arg0: memref<10000x128xf32, #tpu.memory_space<vmem>>, %arg1: memref<8x128xf32, #tpu.memory_space<vmem>>, %arg2: memref<8x128xf32, #tpu.memory_space<vmem>>, %arg3: memref<1x128xf32, #tpu.memory_space<vmem>>, %arg4: memref<1x128xf32, #tpu.memory_space<vmem>>, %arg5: memref<128x128xf32, #tpu.memory_space<vmem>>, %arg6: memref<128x128xf32, #tpu.memory_space<vmem>>, %arg7: memref<1x128xf32, #tpu.memory_space<vmem>>, %arg8: memref<10000x128xf32, #tpu.memory_space<vmem>>, %arg9: memref<10000x128xf32, #tpu.memory_space<vmem>>) attributes {dimension_semantics = [], scalar_prefetch = 0 : i64, scratch_operands = 0 : i64, tpu.core_type = #tpu.core_type<tc>} {
    %get3A = arith.constant 0 : index
    %get3A_0 = arith.constant 0 : index
    %get3A_1 = vector.load %arg1[%get3A, %get3A_0] : memref<8x128xf32, #tpu.memory_space<vmem>>, vector<1x128xf32>
    %get3A_2 = arith.constant 0 : index
    %get3A_3 = arith.constant 0 : index
    %get3A_4 = vector.load %arg2[%get3A_2, %get3A_3] : memref<8x128xf32, #tpu.memory_space<vmem>>, vector<1x128xf32>
    %get3A_5 = arith.constant 0 : index
    %get3A_6 = arith.constant 0 : index
    %get3A_7 = vector.load %arg0[%get3A_5, %get3A_6] : memref<10000x128xf32, #tpu.memory_space<vmem>>, vector<10000x128xf32>
    %sub3A = vector.broadcast %get3A_1 : vector<1x128xf32> to vector<10000x128xf32>
    %sub3A_8 = arith.subf %get3A_7, %sub3A : vector<10000x128xf32>
    %add3A = arith.constant 9.99999974E-6 : f32
    %add3A_9 = vector.broadcast %add3A : f32 to vector<1x128xf32>
    %add3A_10 = arith.addf %get3A_4, %add3A_9 : vector<1x128xf32>
    %rsqrt3A = math.rsqrt %add3A_10 : vector<1x128xf32>
    %mul3A = vector.broadcast %rsqrt3A : vector<1x128xf32> to vector<10000x128xf32>
    %mul3A_11 = arith.mulf %sub3A_8, %mul3A : vector<10000x128xf32>
    %get3A_12 = arith.constant 0 : index
    %get3A_13 = arith.constant 0 : index
    %get3A_14 = vector.load %arg3[%get3A_12, %get3A_13] : memref<1x128xf32, #tpu.memory_space<vmem>>, vector<1x128xf32>
    %mul3A_15 = vector.broadcast %get3A_14 : vector<1x128xf32> to vector<10000x128xf32>
    %mul3A_16 = arith.mulf %mul3A_11, %mul3A_15 : vector<10000x128xf32>
    %get3A_17 = arith.constant 0 : index
    %get3A_18 = arith.constant 0 : index
    %get3A_19 = vector.load %arg4[%get3A_17, %get3A_18] : memref<1x128xf32, #tpu.memory_space<vmem>>, vector<1x128xf32>
    %add3A_20 = vector.broadcast %get3A_19 : vector<1x128xf32> to vector<10000x128xf32>
    %add3A_21 = arith.addf %mul3A_16, %add3A_20 : vector<10000x128xf32>
    %max3A = arith.constant 0.000000e+00 : f32
    %max3A_22 = vector.broadcast %max3A : f32 to vector<10000x128xf32>
    %max3A_23 = arith.maximumf %add3A_21, %max3A_22 : vector<10000x128xf32>
    %get3A_24 = arith.constant 0 : index
    %get3A_25 = arith.constant 0 : index
    %get3A_26 = vector.load %arg5[%get3A_24, %get3A_25] : memref<128x128xf32, #tpu.memory_space<vmem>>, vector<128x128xf32>
    %dot_general3A = arith.constant dense<0.000000e+00> : vector<10000x128xf32>
    %dot_general3A_27 = tpu.matmul %max3A_23, %get3A_26, %dot_general3A {dimension_numbers = #tpu.dot_dimension_numbers<[1], [0], [0], [1], [0, 0, 1, 1], [], []>, precision = #tpu.contract_precision<fp32>, transpose_lhs_hint = false} : vector<10000x128xf32>, vector<128x128xf32>, vector<10000x128xf32> -> vector<10000x128xf32>
    %swap3A = arith.constant 0 : index
    %swap3A_28 = arith.constant 0 : index
    %swap3A_29 = vector.load %arg8[%swap3A, %swap3A_28] : memref<10000x128xf32, #tpu.memory_space<vmem>>, vector<10000x128xf32>
    tpu.vector_store %arg8[%swap3A, %swap3A_28], %dot_general3A_27 {strides = array<i32>} : memref<10000x128xf32, #tpu.memory_space<vmem>>, vector<10000x128xf32>,
    %get3A_30 = arith.constant 0 : index
    %get3A_31 = arith.constant 0 : index
    %get3A_32 = vector.load %arg6[%get3A_30, %get3A_31] : memref<128x128xf32, #tpu.memory_space<vmem>>, vector<128x128xf32>
    %dot_general3A_33 = arith.constant dense<0.000000e+00> : vector<10000x128xf32>
    %dot_general3A_34 = tpu.matmul %max3A_23, %get3A_32, %dot_general3A_33 {dimension_numbers = #tpu.dot_dimension_numbers<[1], [0], [0], [1], [0, 0, 1, 1], [], []>, precision = #tpu.contract_precision<fp32>, transpose_lhs_hint = false} : vector<10000x128xf32>, vector<128x128xf32>, vector<10000x128xf32> -> vector<10000x128xf32>
    %get3A_35 = arith.constant 0 : index
    %get3A_36 = arith.constant 0 : index
    %get3A_37 = vector.load %arg7[%get3A_35, %get3A_36] : memref<1x128xf32, #tpu.memory_space<vmem>>, vector<1x128xf32>
    %add3A_38 = vector.broadcast %get3A_37 : vector<1x128xf32> to vector<10000x128xf32>
    %add3A_39 = arith.addf %dot_general3A_34, %add3A_38 : vector<10000x128xf32>
    %swap3A_40 = arith.constant 0 : index
    %swap3A_41 = arith.constant 0 : index
    %swap3A_42 = vector.load %arg9[%swap3A_40, %swap3A_41] : memref<10000x128xf32, #tpu.memory_space<vmem>>, vector<10000x128xf32>
    tpu.vector_store %arg9[%swap3A_40, %swap3A_41], %add3A_39 {strides = array<i32>} : memref<10000x128xf32, #tpu.memory_space<vmem>>, vector<10000x128xf32>,
    return
  }
}

module attributes {stable_mosaic.version = 14 : i64} {
  func.func @_mid1_body(%arg0: memref<2x10112x128xf32, #tpu.memory_space<vmem>>, %arg1: memref<2x10112x128xf32, #tpu.memory_space<vmem>>, %arg2: memref<10000x128xf32, #tpu.memory_space<vmem>>, %arg3: memref<10000x128xf32, #tpu.memory_space<vmem>>, %arg4: memref<8x128xf32, #tpu.memory_space<vmem>>, %arg5: memref<8x128xf32, #tpu.memory_space<vmem>>) attributes {dimension_semantics = [], scalar_prefetch = 0 : i64, scratch_operands = 0 : i64, tpu.core_type = #tpu.core_type<tc>} {
    %get3A = arith.constant 0 : index
    %get3A_0 = arith.constant 0 : index
    %get3A_1 = arith.constant 0 : index
    %get3A_2 = vector.load %arg1[%get3A, %get3A_0, %get3A_1] : memref<2x10112x128xf32, #tpu.memory_space<vmem>>, vector<1x10000x1xf32>
    %get3A_3 = vector.shape_cast %get3A_2 : vector<1x10000x1xf32> to vector<10000x1xf32>
    %get3A_4 = arith.constant 1 : index
    %get3A_5 = arith.constant 0 : index
    %get3A_6 = arith.constant 0 : index
    %get3A_7 = vector.load %arg1[%get3A_4, %get3A_5, %get3A_6] : memref<2x10112x128xf32, #tpu.memory_space<vmem>>, vector<1x10000x1xf32>
    %get3A_8 = vector.shape_cast %get3A_7 : vector<1x10000x1xf32> to vector<10000x1xf32>
    %add3A = arith.addf %get3A_3, %get3A_8 : vector<10000x1xf32>
    %max3A = arith.constant 1.000000e+00 : f32
    %max3A_9 = vector.broadcast %max3A : f32 to vector<10000x1xf32>
    %max3A_10 = arith.maximumf %add3A, %max3A_9 : vector<10000x1xf32>
    %div3A = arith.constant 1.000000e+00 : f32
    %div3A_11 = vector.broadcast %div3A : f32 to vector<10000x1xf32>
    %div3A_12 = arith.divf %div3A_11, %max3A_10 : vector<10000x1xf32>
    %get3A_13 = arith.constant 0 : index
    %get3A_14 = arith.constant 0 : index
    %get3A_15 = arith.constant 0 : index
    %get3A_16 = vector.load %arg0[%get3A_13, %get3A_14, %get3A_15] : memref<2x10112x128xf32, #tpu.memory_space<vmem>>, vector<1x10000x128xf32>
    %get3A_17 = vector.shape_cast %get3A_16 : vector<1x10000x128xf32> to vector<10000x128xf32>
    %get3A_18 = arith.constant 1 : index
    %get3A_19 = arith.constant 0 : index
    %get3A_20 = arith.constant 0 : index
    %get3A_21 = vector.load %arg0[%get3A_18, %get3A_19, %get3A_20] : memref<2x10112x128xf32, #tpu.memory_space<vmem>>, vector<1x10000x128xf32>
    %get3A_22 = vector.shape_cast %get3A_21 : vector<1x10000x128xf32> to vector<10000x128xf32>
    %add3A_23 = arith.addf %get3A_17, %get3A_22 : vector<10000x128xf32>
    %mul3A = vector.broadcast %div3A_12 : vector<10000x1xf32> to vector<10000x128xf32>
    %mul3A_24 = arith.mulf %add3A_23, %mul3A : vector<10000x128xf32>
    %get3A_25 = arith.constant 0 : index
    %get3A_26 = arith.constant 0 : index
    %get3A_27 = vector.load %arg2[%get3A_25, %get3A_26] : memref<10000x128xf32, #tpu.memory_space<vmem>>, vector<10000x128xf32>
    %add3A_28 = arith.addf %mul3A_24, %get3A_27 : vector<10000x128xf32>
    %reduce_sum3A = arith.constant dense<0.000000e+00> : vector<128xf32>
    %reduce_sum3A_29 = vector.multi_reduction <add>, %add3A_28, %reduce_sum3A [0] : vector<10000x128xf32> to vector<128xf32>
    %broadcast_in_dim3A = vector.shape_cast %reduce_sum3A_29 : vector<128xf32> to vector<1x128xf32>
    %div3A_30 = arith.constant 1.000000e+04 : f32
    %div3A_31 = vector.broadcast %div3A_30 : f32 to vector<1x128xf32>
    %div3A_32 = arith.divf %broadcast_in_dim3A, %div3A_31 : vector<1x128xf32>
    %sub3A = vector.broadcast %div3A_32 : vector<1x128xf32> to vector<10000x128xf32>
    %sub3A_33 = arith.subf %add3A_28, %sub3A : vector<10000x128xf32>
    %sub3A_34 = vector.broadcast %div3A_32 : vector<1x128xf32> to vector<10000x128xf32>
    %sub3A_35 = arith.subf %add3A_28, %sub3A_34 : vector<10000x128xf32>
    %mul3A_36 = arith.mulf %sub3A_33, %sub3A_35 : vector<10000x128xf32>
    %reduce_sum3A_37 = arith.constant dense<0.000000e+00> : vector<128xf32>
    %reduce_sum3A_38 = vector.multi_reduction <add>, %mul3A_36, %reduce_sum3A_37 [0] : vector<10000x128xf32> to vector<128xf32>
    %broadcast_in_dim3A_39 = vector.shape_cast %reduce_sum3A_38 : vector<128xf32> to vector<1x128xf32>
    %div3A_40 = arith.constant 1.000000e+04 : f32
    %div3A_41 = vector.broadcast %div3A_40 : f32 to vector<1x128xf32>
    %div3A_42 = arith.divf %broadcast_in_dim3A_39, %div3A_41 : vector<1x128xf32>
    %swap3A = arith.constant 0 : index
    %swap3A_43 = arith.constant 0 : index
    %swap3A_44 = vector.load %arg3[%swap3A, %swap3A_43] : memref<10000x128xf32, #tpu.memory_space<vmem>>, vector<10000x128xf32>
    tpu.vector_store %arg3[%swap3A, %swap3A_43], %add3A_28 {strides = array<i32>} : memref<10000x128xf32, #tpu.memory_space<vmem>>, vector<10000x128xf32>,
    %broadcast_in_dim3A_45 = vector.shape_cast %div3A_32 : vector<1x128xf32> to vector<1x128xf32>
    %broadcast_in_dim3A_46 = vector.broadcast %broadcast_in_dim3A_45 : vector<1x128xf32> to vector<8x128xf32>
    %swap3A_47 = arith.constant 0 : index
    %swap3A_48 = arith.constant 0 : index
    %swap3A_49 = vector.load %arg4[%swap3A_47, %swap3A_48] : memref<8x128xf32, #tpu.memory_space<vmem>>, vector<8x128xf32>
    tpu.vector_store %arg4[%swap3A_47, %swap3A_48], %broadcast_in_dim3A_46 {strides = array<i32>} : memref<8x128xf32, #tpu.memory_space<vmem>>, vector<8x128xf32>,
    %broadcast_in_dim3A_50 = vector.shape_cast %div3A_42 : vector<1x128xf32> to vector<1x128xf32>
    %broadcast_in_dim3A_51 = vector.broadcast %broadcast_in_dim3A_50 : vector<1x128xf32> to vector<8x128xf32>
    %swap3A_52 = arith.constant 0 : index
    %swap3A_53 = arith.constant 0 : index
    %swap3A_54 = vector.load %arg5[%swap3A_52, %swap3A_53] : memref<8x128xf32, #tpu.memory_space<vmem>>, vector<8x128xf32>
    tpu.vector_store %arg5[%swap3A_52, %swap3A_53], %broadcast_in_dim3A_51 {strides = array<i32>} : memref<8x128xf32, #tpu.memory_space<vmem>>, vector<8x128xf32>,
    return
  }
}

module attributes {stable_mosaic.version = 14 : i64} {
  func.func @_fin_body(%arg0: memref<2x10112x128xf32, #tpu.memory_space<vmem>>, %arg1: memref<2x10112x128xf32, #tpu.memory_space<vmem>>, %arg2: memref<10000x128xf32, #tpu.memory_space<vmem>>, %arg3: memref<10000x128xf32, #tpu.memory_space<vmem>>) attributes {dimension_semantics = [], scalar_prefetch = 0 : i64, scratch_operands = 0 : i64, tpu.core_type = #tpu.core_type<tc>} {
    %get3A = arith.constant 0 : index
    %get3A_0 = arith.constant 0 : index
    %get3A_1 = arith.constant 0 : index
    %get3A_2 = vector.load %arg1[%get3A, %get3A_0, %get3A_1] : memref<2x10112x128xf32, #tpu.memory_space<vmem>>, vector<1x10000x1xf32>
    %get3A_3 = vector.shape_cast %get3A_2 : vector<1x10000x1xf32> to vector<10000x1xf32>
    %get3A_4 = arith.constant 1 : index
    %get3A_5 = arith.constant 0 : index
    %get3A_6 = arith.constant 0 : index
    %get3A_7 = vector.load %arg1[%get3A_4, %get3A_5, %get3A_6] : memref<2x10112x128xf32, #tpu.memory_space<vmem>>, vector<1x10000x1xf32>
    %get3A_8 = vector.shape_cast %get3A_7 : vector<1x10000x1xf32> to vector<10000x1xf32>
    %add3A = arith.addf %get3A_3, %get3A_8 : vector<10000x1xf32>
    %max3A = arith.constant 1.000000e+00 : f32
    %max3A_9 = vector.broadcast %max3A : f32 to vector<10000x1xf32>
    %max3A_10 = arith.maximumf %add3A, %max3A_9 : vector<10000x1xf32>
    %div3A = arith.constant 1.000000e+00 : f32
    %div3A_11 = vector.broadcast %div3A : f32 to vector<10000x1xf32>
    %div3A_12 = arith.divf %div3A_11, %max3A_10 : vector<10000x1xf32>
    %get3A_13 = arith.constant 0 : index
    %get3A_14 = arith.constant 0 : index
    %get3A_15 = arith.constant 0 : index
    %get3A_16 = vector.load %arg0[%get3A_13, %get3A_14, %get3A_15] : memref<2x10112x128xf32, #tpu.memory_space<vmem>>, vector<1x10000x128xf32>
    %get3A_17 = vector.shape_cast %get3A_16 : vector<1x10000x128xf32> to vector<10000x128xf32>
    %get3A_18 = arith.constant 1 : index
    %get3A_19 = arith.constant 0 : index
    %get3A_20 = arith.constant 0 : index
    %get3A_21 = vector.load %arg0[%get3A_18, %get3A_19, %get3A_20] : memref<2x10112x128xf32, #tpu.memory_space<vmem>>, vector<1x10000x128xf32>
    %get3A_22 = vector.shape_cast %get3A_21 : vector<1x10000x128xf32> to vector<10000x128xf32>
    %add3A_23 = arith.addf %get3A_17, %get3A_22 : vector<10000x128xf32>
    %mul3A = vector.broadcast %div3A_12 : vector<10000x1xf32> to vector<10000x128xf32>
    %mul3A_24 = arith.mulf %add3A_23, %mul3A : vector<10000x128xf32>
    %get3A_25 = arith.constant 0 : index
    %get3A_26 = arith.constant 0 : index
    %get3A_27 = vector.load %arg2[%get3A_25, %get3A_26] : memref<10000x128xf32, #tpu.memory_space<vmem>>, vector<10000x128xf32>
    %add3A_28 = arith.addf %mul3A_24, %get3A_27 : vector<10000x128xf32>
    %swap3A = arith.constant 0 : index
    %swap3A_29 = arith.constant 0 : index
    %swap3A_30 = vector.load %arg3[%swap3A, %swap3A_29] : memref<10000x128xf32, #tpu.memory_space<vmem>>, vector<10000x128xf32>
    tpu.vector_store %arg3[%swap3A, %swap3A_29], %add3A_28 {strides = array<i32>} : memref<10000x128xf32, #tpu.memory_space<vmem>>, vector<10000x128xf32>,
    return
  }
}

</mosaic_0001>

<sc_bundles>
// kernel: kernel.12.cloned.1.call-start
scs
__scs_entry_jumppad:
0x0: {  	(pc) =	sbr.rel $0x88, $3  }
0x1: {  	(tag) =	ssettag $0x0;
	lr =	simm.s32 $0x1  }
0x2: {  	[smem:$0x3F97] =	sst lr;
	_ =	strace $0xD0000000  }
0x3: {  	_ = 	snop  }
0x4: {  	_ = 	snop  }
0x5: {  	_ = 	snop  }
0x6: {  	_ = 	snop  }
0x7: {  	_ = 	snop  }
__scs_overlays_trampoline_lowered:
0x8: {  	[smem:$0x3FA6] =	sst s0  }
0x9: {  	[smem:$0x3FA7] =	sst s1  }
0xa: {  	[smem:$0x3FA8] =	sst s2  }
0xb: {  	[smem:$0x3FA9] =	sst s3  }
0xc: {  	[smem:$0x3FAA] =	sst s4  }
0xd: {  	[smem:$0x3FAB] =	sst s5  }
0xe: {  	[smem:$0x3FAC] =	sst s6  }
0xf: {  	[smem:$0x3FAD] =	sst s7  }
0x10: {  	[smem:$0x3FAE] =	sst s8  }
0x11: {  	[smem:$0x3FAF] =	sst s9;
	s0 =	simm.s32 @!p0 $0x0  }
0x12: {  	s1 =	sld [smem:$0x3F95];
	s0 =	simm.s32 @p0 $0x1  }
0x13: {  	[smem:$0x3FB0] =	sst s0;
	s0 =	simm.s32 @!p1 $0x0  }
0x14: {  	s2 =	sld [smem:$0x3F94];
	s0 =	simm.s32 @p1 $0x1  }
0x15: {  	[smem:$0x3FB1] =	sst s0;
	s0 =	simm.s32 @!p2 $0x0  }
0x16: {  	s3 =	sld [smem:$0x3FDB];
	s0 =	simm.s32 @p2 $0x1  }
0x17: {  	s4 =	simm.s32 $0x1BF5;
	[smem:$0x3FB3] =	sst s0  }
0x18: {  	s0 =	sld [smem:$0x3F96];
	_ =	swait.ge [sflag:s4], $0x0  }
0x19: {  	s7 =	sld [smem:$0x3F97]  }
0x1a: {  	s8 =	sadd.s32 $0xFFFFE003, lr  }
0x1b: {  	s9 =	sadd.s32 $0xFFFFFEF7, lr;
	s5 =	simm.s32 $0xFFFFFFFF;
	p2 =	slt.u32 s8, $0xFFFFF086  }
0x1c: {  	p1 =	slt.u32 s9, $0xF7A;
	s5 =	simm.s32 @!p2 $0x0  }
0x1d: {  	s5 =	simm.s32 @p1 $0x1;
	p0 =	seq.s32 s7, s2  }
0x1e: {  	s7 =	smul.u32 @!p0 $0xF7A, s2;
	p2 =	seq.s32 @!p0 s5, $0x0  }
0x1f: {  	s9 =	smul.u32 $0xF7A, s1;
	s8 =	simm.s32 @!p0 $0x1BF5;
	p2 =	por !p2, p0  }
0x20: {  	[sflag:s8] =	ssyncset.s32 @!p0 $0xFFFFF086;
	s6 =	sadd.s32 @!p0 s3, s7;
	s7 =	simm.s32 @!p0 $0x108  }
0x21: {  	s3 =	sadd.s32 s3, s9;
	s6 =	sadd.s32 @!p0 $0x88, s6;
	s7 =	simm.s32 @p2 $0x1082  }
0x22: {  	[simem:s7], [sflag:s8] =	dma.local @!p0 [hbm:s6], $0xF7A  }
0x23: {  	s9 =	sor.u32 $0xD0000000, s2;
	s6 =	simm.s32 $0x108;
	_ =	swait.ge @!p0 [sflag:s8], $0x0  }
0x24: {  	s3 =	sadd.s32 $0x88, s3;
	s6 =	simm.s32 @!p1 $0x1082;
	[sflag:s4] =	ssyncset.s32 $0xFFFFF086  }
0x25: {  	[simem:s6], [sflag:s4] =	dma.local [hbm:s3], $0xF7A  }
0x26: {  	[smem:$0x3F97] =	sst s1;
	(tag) =	ssettag s2;
	_ =	strace s9  }
0x27: {  	s1 =	sld [smem:$0x3FA7]  }
0x28: {  	s2 =	sld [smem:$0x3FA8]  }
0x29: {  	s4 =	sld [smem:$0x3FAA]  }
0x2a: {  	p0 =	seq.s32 s5, $0x0;
	s5 =	sld [smem:$0x3FAB]  }
0x2b: {  	s6 =	sld [smem:$0x3FAC]  }
0x2c: {  	s7 =	sld [smem:$0x3FAD]  }
0x2d: {  	s3 =	simm.s32 $0x108;
	s8 =	sld [smem:$0x3FAE]  }
0x2e: {  	s3 =	simm.s32 @!p0 $0x1082;
	s9 =	sld [smem:$0x3FAF]  }
0x2f: {  	lr =	sadd.s32 s0, s3;
	s0 =	sld [smem:$0x3FA6]  }
0x30: {  	s3 =	sld [smem:$0x3FA9]  }
0x31: {  	[smem:$0x3FB2] =	sst s10  }
0x32: {  	s10 =	sld [smem:$0x3FB0];
	_ =	sdelay $0x3  }
0x33: {  	p0 =	seq.s32 s10, $0x1;
	s10 =	sld [smem:$0x3FB2];
	_ =	sdelay $0x3  }
0x34: {  	[smem:$0x3FB2] =	sst s10  }
0x35: {  	s10 =	sld [smem:$0x3FB1];
	_ =	sdelay $0x3  }
0x36: {  	p1 =	seq.s32 s10, $0x1;
	s10 =	sld [smem:$0x3FB2];
	_ =	sdelay $0x3  }
0x37: {  	[smem:$0x3FB2] =	sst s10  }
0x38: {  	s10 =	sld [smem:$0x3FB3]  }
0x39: {  	_ = 	snop;
	(pc) =	sbr.ind lr, $3  }
0x3a: {  	_ = 	snop  }
0x3b: {  	_ = 	snop  }
0x3c: {  	p2 =	seq.s32 s10, $0x1;
	s10 =	sld [smem:$0x3FB2]  }
0x3d: {  	_ =	shalt  }
0x3e: {  	_ =	shalt  }
0x3f: {  	_ =	shalt  }
0x40: {  	_ =	shalt  }
0x41: {  	_ =	shalt  }
0x42: {  	_ =	shalt  }
0x43: {  	_ =	shalt  }
0x44: {  	_ =	shalt  }
0x45: {  	_ =	shalt  }
0x46: {  	_ =	shalt  }
0x47: {  	_ =	shalt  }
0x48: {  	_ =	shalt  }
0x49: {  	_ =	shalt  }
0x4a: {  	_ =	shalt  }
0x4b: {  	_ =	shalt  }
0x4c: {  	_ =	shalt  }
0x4d: {  	_ =	shalt  }
0x4e: {  	_ =	shalt  }
0x4f: {  	_ =	shalt  }
0x50: {  	_ =	shalt  }
0x51: {  	_ =	shalt  }
0x52: {  	_ =	shalt  }
0x53: {  	_ =	shalt  }
0x54: {  	_ =	shalt  }
0x55: {  	_ =	shalt  }
0x56: {  	_ =	shalt  }
0x57: {  	_ =	shalt  }
0x58: {  	_ =	shalt  }
0x59: {  	_ =	shalt  }
0x5a: {  	_ =	shalt  }
0x5b: {  	_ =	shalt  }
0x5c: {  	_ =	shalt  }
0x5d: {  	_ =	shalt  }
0x5e: {  	_ =	shalt  }
0x5f: {  	_ =	shalt  }
0x60: {  	_ =	shalt  }
0x61: {  	_ =	shalt  }
0x62: {  	_ =	shalt  }
0x63: {  	_ =	shalt  }
0x64: {  	_ =	shalt  }
0x65: {  	_ =	shalt  }
0x66: {  	_ =	shalt  }
0x67: {  	_ =	shalt  }
0x68: {  	_ =	shalt  }
0x69: {  	_ =	shalt  }
0x6a: {  	_ =	shalt  }
0x6b: {  	_ =	shalt  }
0x6c: {  	_ =	shalt  }
0x6d: {  	_ =	shalt  }
0x6e: {  	_ =	shalt  }
0x6f: {  	_ =	shalt  }
0x70: {  	_ =	shalt  }
0x71: {  	_ =	shalt  }
0x72: {  	_ =	shalt  }
0x73: {  	_ =	shalt  }
0x74: {  	_ =	shalt  }
0x75: {  	_ =	shalt  }
0x76: {  	_ =	shalt  }
0x77: {  	_ =	shalt  }
0x78: {  	_ =	shalt  }
0x79: {  	_ =	shalt  }
0x7a: {  	_ =	shalt  }
0x7b: {  	_ =	shalt  }
0x7c: {  	_ =	shalt  }
0x7d: {  	_ =	shalt  }
0x7e: {  	_ =	shalt  }
0x7f: {  	_ =	shalt  }
0x80: {  	_ =	shalt  }
0x81: {  	_ =	shalt  }
0x82: {  	_ =	shalt  }
0x83: {  	_ =	shalt  }
0x84: {  	_ =	shalt  }
0x85: {  	_ =	shalt  }
0x86: {  	_ =	shalt  }
0x87: {  	_ =	shalt  }
.Lfunc_end0:
.L_simem_size_0:
called_computation.1_lowered:
.L_overlay_start_0:
0x88: {  	s2 =	sld [smem:$0x3FD9]  }
0x89: {  	s3 =	sld [smem:$0x3FFE];
	_ =	sdelay $0x1  }
0x8a: {  	s1 =	srdreg.scid  }
0x8b: {  	s0 =	sand.u32 $0x1, s1  }
0x8c: {  	s17 =	sshll.u32 s0, $0xA;
	s2 =	sadd.s32 s3, s2  }
0x8d: {  	s2 =	sadd.s32 s2, s17  }
0x8e: {  	[smem:$0x3FBE] =	sst s2  }
0x8f: {  	_ = 	snop  }
0x90: {  	s2 =	sld [smem:$0x3FD0];
	(tm) =	ssettm $0x1  }
0x91: {  	s18 =	sld [smem:$0x3FFB];
	_ =	sdelay $0x3  }
0x92: {  	_ =	strace s18  }
0x93: {  	s3 =	sld [smem:$0x3FFC];
	_ =	sdelay $0x3  }
0x94: {  	_ =	strace s3  }
0x95: {  	s3 =	sld [smem:$0x3FFD];
	_ =	sdelay $0x3  }
0x96: {  	_ =	strace s3  }
0x97: {  	_ =	strace $0x8FFFFFFF  }
0x98: {  	s19 =	sld [smem:$0x3FDB];
	_ =	sdelay $0x1  }
0x99: {  	s4 =	simm.s32 $_scs_section_size  }
0x9a: {  	s5 =	simm.s32 $_size__tile_overlayer_lowered;
	s6 =	simm.s32 $_tile_overlayer_lowered  }
0x9b: {  	s22 =	simm.s32 $0x1BFF;
	s21 =	sshll.u32 s6, $0x1;
	s3 =	sadd.s32 s4, s19  }
0x9c: {  	s7 =	simm.s32 $0x0;
	s20 =	sshll.u32 s5, $0x1;
	s5 =	sadd.s32 s21, s3  }
0x9d: {  	[timem:s7], [sflag:s22] =	dma.local [hbm:s5], s20  }
0x9e: {  	_ =	swait.ge [sflag:s22], s20  }
0x9f: {  	s4 =	ssub.s32 $0x0, s20;
	[sflag:s22] =	ssyncset.done $0x0  }
0xa0: {  	[sflag:s22] =	ssyncadd.s32 s4;
	_ =	sdelay $0x1  }
0xa1: {  	s23 =	simm.s32 $0x1B8B  }
0xa2: {  	_ =	swait.ge [sflag:s23], $0x1  }
0xa3: {  	[sflag:s23] =	ssyncset.done $0x0  }
0xa4: {  	s25 =	simm.s32 $0x1B8E;
	s24 =	sld [smem:$0x3FFE];
	[sflag:s23] =	ssyncadd.s32 $0xFFFFFFFF  }
0xa5: {  	s26 =	simm.s32 $execute0_lowered;
	[smem:$0x3FD2] =	sst s25  }
0xa6: {  	s5 =	sshll.u32 s26, $0x1;
	_ =	strace $0x80000046;
	[dreg:$0x1] =	wrdreg $0xFFFFFFFF  }
0xa7: {  	s28 =	simm.s32 $_size_execute0_lowered;
	s3 =	sadd.s32 s3, s5;
	[dreg:$0x0] =	wrdreg $0x0  }
0xa8: {  	s5 =	sshll.u32 s28, $0x1;
	[dreg:$0x2] =	wrdreg s3  }
0xa9: {  	[dreg:$0x3] =	wrdreg s5  }
0xaa: {  	[dreg:$0x4] =	wrdreg $0xC0  }
0xab: {  	_ =	task [dreg:s7], $0x5FFFF  }
0xac: {  	[dreg:$0x1] =	wrdreg $0xFFFFFFFF  }
0xad: {  	[dreg:$0x0] =	wrdreg $0x60  }
0xae: {  	[dreg:$0x2] =	wrdreg s2  }
0xaf: {  	[dreg:$0x3] =	wrdreg s24  }
0xb0: {  	[dreg:$0x4] =	wrdreg $0xC1000  }
0xb1: {  	[dreg:$0x5] =	wrdreg $0xA  }
0xb2: {  	_ =	task.clear_ibuf [dreg:s7], $0x6FFFF;
	_ =	strace $0x90000046  }
0xb3: {  	s29 =	simm.s32 $0xA;
	_ =	strace $0x80000048  }
0xb4: {  	_ =	swait.ge [sflag:s29], $0x1  }
0xb5: {  	[sflag:s29] =	ssyncadd.s32 $0xFFFFFFFF  }
0xb6: {  	_ =	strace $0x90000048  }
0xb7: {  	_ =	sfence  }
0xb8: {  	s30 =	sld [smem:$0x0];
	_ =	sdelay $0x2  }
0xb9: {  	s31 =	sshll.u32 s1, $0xD;
	s1 =	sshrl.u32 s1, $0x2  }
0xba: {  	s3 =	sand.u32 $0x4000, s31;
	s1 =	sadd.s32 s1, s30  }
0xbb: {  	s0 =	sor.u32 s3, s0;
	s1 =	sshll.u32 s1, $0x11  }
0xbc: {  	s0 =	sor.u32 s1, s0  }
0xbd: {  	s0 =	sadd.s32 $0x8F2B, s0  }
0xbe: {  	[sflag:s0] =	ssyncadd.remote.s32 $0x1  }
0xbf: {  	_ =	sfence.sel $0xFFFF  }
0xc0: {  	[dreg:$0x0] =	wrdreg $0xFFFFFFFF;
	(pc) =	sbr.abs _section_cstart, $3  }
0xc1: {  	[dreg:$0x1] =	wrdreg $0xFFFFFFFF  }
0xc2: {  	_ =	task.clear_ibuf [dreg:s7], $0x2FFFF;
	_ =	strace $0x9FFFFFFF  }
0xc3: {  	(tm) =	ssettm $0x7FFFFFFF  }
tec
execute0_lowered:
.L_overlay_start_1:
0x0: {  	(tag) =	ssettag $0x1  }
0x1: {  	s1 =	rddreg [dreg:$0x0]  }
0x2: {  	s6 =	rddreg [dreg:$0x1]  }
0x3: {  	s2 =	rddreg [dreg:$0x2]  }
0x4: {  	s3 =	srdreg.scid;
	s0 =	rddreg [dreg:$0x3];
	s4 =	simm.s32 $0x0  }
0x5: {  	s18 =	simm.s32 $0x3;
	s19 =	simm.s32 $0x4000;
	s20 =	simm.s32 $0x80  }
0x6: {  	s21 =	simm.s32 $0x4100;
	s22 =	simm.s32 $0x4080;
	s23 =	simm.s32 $0x8100  }
0x7: {  	s24 =	simm.s32 $0x1;
	s25 =	simm.s32 $0x2;
	s7 =	sand.u32 $0x1, s3  }
0x8: {  	s26 =	simm.s32 $0x0;
	s3 =	stileid.u32;
	s5 =	smul.u32 $0x13C000, s7  }
0x9: {  	[smem:$0x7FF] =	sst s4;
	s9 =	sadd.s32 $0x1CC00, s6;
	s8 =	smul.u32 $0x13C00, s3  }
0xa: {  	_ =	strace $0x80000047;
	s10 =	sshll.u32 s3, $0xB;
	s12 =	smul.u32 $0x4F000, s3  }
0xb: {  	s13 =	ssub.s32 $0x2, s7;
	s30 =	sshll.u32 s3, $0x6;
	p0 =	seq.s32 s7, $0x1  }
0xc: {  	s31 =	sshll.u32 s3, $0x9;
	s11 =	sadd.s32 s10, s6;
	s28 =	sshrl.u32 s13, $0x1  }
0xd: {  	s16 =	sadd.s32 s9, s10;
	s8 =	sadd.s32 s8, s5;
	s5 =	sadd.s32 $0x26C00, s6  }
0xe: {  	s29 =	sshrl.u32 s12, $0x2;
	s15 =	ssub.s32 s13, s28;
	s7 =	sadd.s32 $0x14C00, s11  }
.Ltmp0:
0xf: {  	s10 =	sadd.s32 $0xCC00, s11;
	s11 =	sadd.s32 $0x2000, s16;
	(pc) =	sbr.rel .LBB2_1-.Ltmp0, $4  }
0x10: {  	s12 =	sadd.s32 $0x2010, s16;
	s16 =	sadd.s32 $0x2030, s16;
	s8 =	sshrl.u32 s8, $0x3  }
0x11: {  	s17 =	sadd.s32 s29, s2;
	s14 =	sadd.s32 s8, s6;
	s8 =	sadd.s32 s9, s31  }
0x12: {  	s6 =	sor.u32 $0x1C03, s30;
	s17 =	sshrl.u32 s17, $0x3;
	s9 =	sadd.s32 $0x10, s8  }
0x13: {  	s13 =	sadd.s32 $0x29400, s14;
	s14 =	smax.u32 s15, $0x1;
	s15 =	sadd.s32 $0x30, s8  }
.LBB2_4:
0x14: {  	[tilespmem:s23], [sflag:$0x2] =	stream.indirect.gather [hbm4b:s1+s20], $0x80, s22, s20, $0xb8;
	[tilespmem:$0x1FD00] =	vst v63  }
0x15: {  	s28 =	simm.s32 $0xF80;
	s29 =	simm.s32 $0xF00  }
.LBB2_8:
0x16: {  	_ =	swait.ge [sflag:s24], $0x4000  }
0x17: {  	[sflag:s24] =	ssyncset.done $0x0  }
0x18: {  	[sflag:s24] =	ssyncadd.s32 $0xFFFFC000  }
0x19: {  	[spmem:s2] =	stream.indirect.scatter.add.f32 [tilespmem:s21], [sflag:$0x3], $0x80, s29, s20, $0xb8;
	[tilespmem:$0x1FD00] =	vst v63  }
0x1a: {  	_ =	swait.ge [sflag:s18], $0x4000  }
0x1b: {  	[sflag:s18] =	ssyncset.done $0x0  }
0x1c: {  	[sflag:s18] =	ssyncadd.s32 $0xFFFFC000  }
0x1d: {  	_ =	swait.ge [sflag:s25], $0x4000  }
0x1e: {  	[sflag:s25] =	ssyncset.done $0x0  }
0x1f: {  	[sflag:s25] =	ssyncadd.s32 $0xFFFFC000  }
0x20: {  	[spmem:s2] =	stream.indirect.scatter.add.f32 [tilespmem:s23], [sflag:$0x3], $0x80, s28, s20, $0xb8;
	[tilespmem:$0x1FD00] =	vst v63  }
0x21: {  	_ =	swait.ge [sflag:s18], $0x4000  }
0x22: {  	s26 =	sadd.s32 $0x1, s26;
	[sflag:s18] =	ssyncset.done $0x0  }
0x23: {  	p1 =	sne.s32 s26, s14;
	[sflag:s18] =	ssyncadd.s32 $0xFFFFC000  }
.Ltmp1:
0x24: {  	[bflag:$0x0] =	sbarrier.arrive $0xFFFF;
	(pc) =	sbr.rel @!p1 .LBB2_9-.Ltmp1, $4  }
0x25: {  	[hbm:s13], [sflag:s6] =	dma.local [spmem:s17], $0x2780  }
0x26: {  	_ =	swait.ge [sflag:s18], $0x2780  }
0x27: {  	[sflag:s18] =	ssyncset.done $0x0  }
0x28: {  	[sflag:s18] =	ssyncadd.s32 $0xFFFFD880  }
.LBB2_1:
.Ltmp2:
0x29: {  	(pc) =	sbr.rel @!p0 .LBB2_2-.Ltmp2, $4  }
0x2a: {  	[spmem:s17], [sflag:s6] =	dma.local [hbm:s5], $0x2780  }
0x2b: {  	_ =	swait.ge [sflag:s18], $0x2780  }
0x2c: {  	[sflag:s18] =	ssyncset.done $0x0  }
0x2d: {  	s28 =	simm.s32 $0x0;
	[sflag:s18] =	ssyncadd.s32 $0xFFFFD880  }
0x2e: {  	[tilespmem:s28], [sflag:$0x3] =	stream.linear.gather [hbm4b:s10+s28], $0x4000, $0x38;
	[tilespmem:$0x1FD00] =	vst v63  }
0x2f: {  	_ =	swait.ge [sflag:s18], $0x4000  }
0x30: {  	[sflag:s18] =	ssyncset.done $0x0  }
0x31: {  	[sflag:s18] =	ssyncadd.s32 $0xFFFFC000  }
0x32: {  	[tilespmem:s19], [sflag:$0x3] =	stream.linear.gather [hbm4b:s11+s28], $0x80, $0x38;
	[tilespmem:$0x1FD00] =	vst v63  }
0x33: {  	_ =	swait.ge [sflag:s18], $0x80  }
0x34: {  	[sflag:s18] =	ssyncset.done $0x0  }
0x35: {  	[sflag:s18] =	ssyncadd.s32 $0xFFFFFF80  }
0x36: {  	[tilespmem:s21], [sflag:$0x1] =	stream.indirect.gather [hbm4b:s1+s20], $0x80, s19, s20, $0xb8;
	[tilespmem:$0x1FD00] =	vst v63  }
0x37: {  	_ = 	snop  }
0x38: {  	[tilespmem:s22], [sflag:$0x3] =	stream.linear.gather [hbm4b:s12+s28], $0x80, $0x38;
	[tilespmem:$0x1FD00] =	vst v63  }
0x39: {  	_ =	swait.ge [sflag:s18], $0x80  }
0x3a: {  	[sflag:s18] =	ssyncset.done $0x0  }
0x3b: {  	[sflag:s18] =	ssyncadd.s32 $0xFFFFFF80  }
0x3c: {  	[tilespmem:s23], [sflag:$0x2] =	stream.indirect.gather [hbm4b:s1+s20], $0x80, s22, s20, $0xb8;
	[tilespmem:$0x1FD00] =	vst v63  }
0x3d: {  	_ =	swait.ge [sflag:s24], $0x4000  }
0x3e: {  	[sflag:s24] =	ssyncset.done $0x0  }
0x3f: {  	s28 =	simm.s32 $0x0;
	[sflag:s24] =	ssyncadd.s32 $0xFFFFC000  }
0x40: {  	[spmem:s2] =	stream.indirect.scatter.add.f32 [tilespmem:s21], [sflag:$0x3], $0x80, s28, s20, $0xb8;
	[tilespmem:$0x1FD00] =	vst v63  }
0x41: {  	_ =	swait.ge [sflag:s18], $0x4000  }
0x42: {  	[sflag:s18] =	ssyncset.done $0x0  }
0x43: {  	s28 =	sadd.s32 $0xFFFFFFF0, s16;
	[sflag:s18] =	ssyncadd.s32 $0xFFFFC000  }
0x44: {  	[tilespmem:s19], [sflag:$0x3] =	stream.linear.gather [hbm4b:s28+s4], $0x80, $0x38;
	[tilespmem:$0x1FD00] =	vst v63  }
0x45: {  	_ =	swait.ge [sflag:s18], $0x80  }
0x46: {  	[sflag:s18] =	ssyncset.done $0x0  }
0x47: {  	[sflag:s18] =	ssyncadd.s32 $0xFFFFFF80  }
0x48: {  	[tilespmem:s21], [sflag:$0x1] =	stream.indirect.gather [hbm4b:s1+s20], $0x80, s19, s20, $0xb8;
	[tilespmem:$0x1FD00] =	vst v63  }
0x49: {  	_ =	swait.ge [sflag:s25], $0x4000  }
0x4a: {  	[sflag:s25] =	ssyncset.done $0x0  }
0x4b: {  	s28 =	simm.s32 $0x80;
	[sflag:s25] =	ssyncadd.s32 $0xFFFFC000  }
0x4c: {  	[spmem:s2] =	stream.indirect.scatter.add.f32 [tilespmem:s23], [sflag:$0x3], $0x80, s28, s20, $0xb8;
	[tilespmem:$0x1FD00] =	vst v63  }
0x4d: {  	_ =	swait.ge [sflag:s18], $0x4000  }
0x4e: {  	[sflag:s18] =	ssyncset.done $0x0  }
0x4f: {  	[sflag:s18] =	ssyncadd.s32 $0xFFFFC000  }
0x50: {  	[tilespmem:s22], [sflag:$0x3] =	stream.linear.gather [hbm4b:s16+s4], $0x80, $0x38;
	[tilespmem:$0x1FD00] =	vst v63  }
0x51: {  	_ =	swait.ge [sflag:s18], $0x80  }
0x52: {  	[sflag:s18] =	ssyncset.done $0x0  }
0x53: {  	s29 =	sadd.s32 $0x20, s16;
	s28 =	simm.s32 $0x400;
	[sflag:s18] =	ssyncadd.s32 $0xFFFFFF80  }
.LBB2_6:
0x54: {  	[tilespmem:s23], [sflag:$0x2] =	stream.indirect.gather [hbm4b:s1+s20], $0x80, s22, s20, $0xb8;
	[tilespmem:$0x1FD00] =	vst v63  }
0x55: {  	s30 =	smov.u32 s28  }
0x56: {  	p1 =	sne.s32 s28, $0xF800;
	s28 =	sadd.s32 $0x400, s28;
	_ =	swait.ge [sflag:s24], $0x4000  }
0x57: {  	[sflag:s24] =	ssyncset.done $0x0  }
0x58: {  	s30 =	sshra.s32 s30, $0x2;
	[sflag:s24] =	ssyncadd.s32 $0xFFFFC000  }
0x59: {  	[spmem:s2] =	stream.indirect.scatter.add.f32 [tilespmem:s21], [sflag:$0x3], $0x80, s30, s20, $0xb8;
	[tilespmem:$0x1FD00] =	vst v63  }
0x5a: {  	_ =	swait.ge [sflag:s18], $0x4000  }
0x5b: {  	[sflag:s18] =	ssyncset.done $0x0  }
0x5c: {  	s31 =	sadd.s32 $0xFFFFFFF0, s29;
	[sflag:s18] =	ssyncadd.s32 $0xFFFFC000  }
0x5d: {  	[tilespmem:s19], [sflag:$0x3] =	stream.linear.gather [hbm4b:s31+s4], $0x80, $0x38;
	[tilespmem:$0x1FD00] =	vst v63  }
0x5e: {  	_ =	swait.ge [sflag:s18], $0x80  }
0x5f: {  	[sflag:s18] =	ssyncset.done $0x0  }
0x60: {  	[sflag:s18] =	ssyncadd.s32 $0xFFFFFF80  }
0x61: {  	[tilespmem:s21], [sflag:$0x1] =	stream.indirect.gather [hbm4b:s1+s20], $0x80, s19, s20, $0xb8;
	[tilespmem:$0x1FD00] =	vst v63  }
0x62: {  	_ =	swait.ge [sflag:s25], $0x4000  }
0x63: {  	[sflag:s25] =	ssyncset.done $0x0  }
0x64: {  	s30 =	sadd.s32 $0x80, s30;
	[sflag:s25] =	ssyncadd.s32 $0xFFFFC000  }
0x65: {  	[spmem:s2] =	stream.indirect.scatter.add.f32 [tilespmem:s23], [sflag:$0x3], $0x80, s30, s20, $0xb8;
	[tilespmem:$0x1FD00] =	vst v63  }
0x66: {  	_ =	swait.ge [sflag:s18], $0x4000  }
0x67: {  	[sflag:s18] =	ssyncset.done $0x0  }
.Ltmp3:
0x68: {  	[sflag:s18] =	ssyncadd.s32 $0xFFFFC000;
	(pc) =	sbr.rel @p1 .LBB2_6-.Ltmp3, $4  }
0x69: {  	[tilespmem:s22], [sflag:$0x3] =	stream.linear.gather [hbm4b:s29+s4], $0x80, $0x38;
	[tilespmem:$0x1FD00] =	vst v63  }
0x6a: {  	_ =	swait.ge [sflag:s18], $0x80  }
0x6b: {  	[sflag:s18] =	ssyncset.done $0x0  }
0x6c: {  	s29 =	sadd.s32 $0x20, s29;
	[sflag:s18] =	ssyncadd.s32 $0xFFFFFF80  }
.Ltmp4:
0x6d: {  	(pc) =	sbr.rel .LBB2_8-.Ltmp4, $3  }
0x6e: {  	_ =	sdelay $0x1  }
0x6f: {  	[tilespmem:s23], [sflag:$0x2] =	stream.indirect.gather [hbm4b:s1+s20], $0x80, s22, s20, $0xb8;
	[tilespmem:$0x1FD00] =	vst v63  }
0x70: {  	s28 =	simm.s32 $0x3F80;
	s29 =	simm.s32 $0x3F00  }
.LBB2_2:
0x71: {  	[tilespmem:s28], [sflag:$0x3] =	stream.linear.gather [hbm4b:s7+s28], $0x4000, $0x38;
	[tilespmem:$0x1FD00] =	vst v63  }
0x72: {  	_ =	swait.ge [sflag:s18], $0x4000  }
0x73: {  	[sflag:s18] =	ssyncset.done $0x0  }
0x74: {  	[sflag:s18] =	ssyncadd.s32 $0xFFFFC000  }
0x75: {  	[tilespmem:s19], [sflag:$0x3] =	stream.linear.gather [hbm4b:s8+s28], $0x80, $0x38;
	[tilespmem:$0x1FD00] =	vst v63  }
0x76: {  	_ =	swait.ge [sflag:s18], $0x80  }
0x77: {  	[sflag:s18] =	ssyncset.done $0x0  }
0x78: {  	[sflag:s18] =	ssyncadd.s32 $0xFFFFFF80  }
0x79: {  	[tilespmem:s21], [sflag:$0x1] =	stream.indirect.gather [hbm4b:s1+s20], $0x80, s19, s20, $0xb8;
	[tilespmem:$0x1FD00] =	vst v63  }
0x7a: {  	_ = 	snop  }
0x7b: {  	[tilespmem:s22], [sflag:$0x3] =	stream.linear.gather [hbm4b:s9+s28], $0x80, $0x38;
	[tilespmem:$0x1FD00] =	vst v63  }
0x7c: {  	_ =	swait.ge [sflag:s18], $0x80  }
0x7d: {  	[sflag:s18] =	ssyncset.done $0x0  }
0x7e: {  	[sflag:s18] =	ssyncadd.s32 $0xFFFFFF80  }
0x7f: {  	[tilespmem:s23], [sflag:$0x2] =	stream.indirect.gather [hbm4b:s1+s20], $0x80, s22, s20, $0xb8;
	[tilespmem:$0x1FD00] =	vst v63  }
0x80: {  	_ =	swait.ge [sflag:s24], $0x4000  }
0x81: {  	[sflag:s24] =	ssyncset.done $0x0  }
0x82: {  	s28 =	simm.s32 $0x0;
	[sflag:s24] =	ssyncadd.s32 $0xFFFFC000  }
0x83: {  	[spmem:s2] =	stream.indirect.scatter.add.f32 [tilespmem:s21], [sflag:$0x3], $0x80, s28, s20, $0xb8;
	[tilespmem:$0x1FD00] =	vst v63  }
0x84: {  	_ =	swait.ge [sflag:s18], $0x4000  }
0x85: {  	[sflag:s18] =	ssyncset.done $0x0  }
0x86: {  	s28 =	sadd.s32 $0xFFFFFFF0, s15;
	[sflag:s18] =	ssyncadd.s32 $0xFFFFC000  }
0x87: {  	[tilespmem:s19], [sflag:$0x3] =	stream.linear.gather [hbm4b:s28+s4], $0x80, $0x38;
	[tilespmem:$0x1FD00] =	vst v63  }
0x88: {  	_ =	swait.ge [sflag:s18], $0x80  }
0x89: {  	[sflag:s18] =	ssyncset.done $0x0  }
0x8a: {  	[sflag:s18] =	ssyncadd.s32 $0xFFFFFF80  }
0x8b: {  	[tilespmem:s21], [sflag:$0x1] =	stream.indirect.gather [hbm4b:s1+s20], $0x80, s19, s20, $0xb8;
	[tilespmem:$0x1FD00] =	vst v63  }
0x8c: {  	_ =	swait.ge [sflag:s25], $0x4000  }
0x8d: {  	[sflag:s25] =	ssyncset.done $0x0  }
0x8e: {  	s28 =	simm.s32 $0x80;
	[sflag:s25] =	ssyncadd.s32 $0xFFFFC000  }
0x8f: {  	[spmem:s2] =	stream.indirect.scatter.add.f32 [tilespmem:s23], [sflag:$0x3], $0x80, s28, s20, $0xb8;
	[tilespmem:$0x1FD00] =	vst v63  }
0x90: {  	_ =	swait.ge [sflag:s18], $0x4000  }
0x91: {  	p1 =	por $0x0, $0x0;
	[sflag:s18] =	ssyncset.done $0x0  }
.Ltmp5:
0x92: {  	[sflag:s18] =	ssyncadd.s32 $0xFFFFC000;
	(pc) =	sbr.rel @p1 .LBB2_4-.Ltmp5, $4  }
0x93: {  	[tilespmem:s22], [sflag:$0x3] =	stream.linear.gather [hbm4b:s15+s4], $0x80, $0x38;
	[tilespmem:$0x1FD00] =	vst v63  }
0x94: {  	_ =	swait.ge [sflag:s18], $0x80  }
0x95: {  	[sflag:s18] =	ssyncset.done $0x0  }
0x96: {  	s29 =	sadd.s32 $0x20, s15;
	s28 =	simm.s32 $0x400;
	[sflag:s18] =	ssyncadd.s32 $0xFFFFFF80  }
.LBB2_3:
0x97: {  	[tilespmem:s23], [sflag:$0x2] =	stream.indirect.gather [hbm4b:s1+s20], $0x80, s22, s20, $0xb8;
	[tilespmem:$0x1FD00] =	vst v63  }
0x98: {  	s30 =	smov.u32 s28  }
0x99: {  	p1 =	seq.s32 s28, $0x3800;
	s28 =	sadd.s32 $0x400, s28;
	_ =	swait.ge [sflag:s24], $0x4000  }
0x9a: {  	[sflag:s24] =	ssyncset.done $0x0  }
0x9b: {  	s30 =	sshra.s32 s30, $0x2;
	[sflag:s24] =	ssyncadd.s32 $0xFFFFC000  }
0x9c: {  	[spmem:s2] =	stream.indirect.scatter.add.f32 [tilespmem:s21], [sflag:$0x3], $0x80, s30, s20, $0xb8;
	[tilespmem:$0x1FD00] =	vst v63  }
0x9d: {  	_ =	swait.ge [sflag:s18], $0x4000  }
0x9e: {  	[sflag:s18] =	ssyncset.done $0x0  }
0x9f: {  	s31 =	sadd.s32 $0xFFFFFFF0, s29;
	[sflag:s18] =	ssyncadd.s32 $0xFFFFC000  }
0xa0: {  	[tilespmem:s19], [sflag:$0x3] =	stream.linear.gather [hbm4b:s31+s4], $0x80, $0x38;
	[tilespmem:$0x1FD00] =	vst v63  }
0xa1: {  	_ =	swait.ge [sflag:s18], $0x80  }
0xa2: {  	[sflag:s18] =	ssyncset.done $0x0  }
0xa3: {  	[sflag:s18] =	ssyncadd.s32 $0xFFFFFF80  }
0xa4: {  	[tilespmem:s21], [sflag:$0x1] =	stream.indirect.gather [hbm4b:s1+s20], $0x80, s19, s20, $0xb8;
	[tilespmem:$0x1FD00] =	vst v63  }
0xa5: {  	_ =	swait.ge [sflag:s25], $0x4000  }
0xa6: {  	[sflag:s25] =	ssyncset.done $0x0  }
0xa7: {  	s30 =	sadd.s32 $0x80, s30;
	[sflag:s25] =	ssyncadd.s32 $0xFFFFC000  }
0xa8: {  	[spmem:s2] =	stream.indirect.scatter.add.f32 [tilespmem:s23], [sflag:$0x3], $0x80, s30, s20, $0xb8;
	[tilespmem:$0x1FD00] =	vst v63  }
0xa9: {  	_ =	swait.ge [sflag:s18], $0x4000  }
0xaa: {  	[sflag:s18] =	ssyncset.done $0x0  }
.Ltmp6:
0xab: {  	[sflag:s18] =	ssyncadd.s32 $0xFFFFC000;
	(pc) =	sbr.rel @!p1 .LBB2_3-.Ltmp6, $4  }
0xac: {  	[tilespmem:s22], [sflag:$0x3] =	stream.linear.gather [hbm4b:s29+s4], $0x80, $0x38;
	[tilespmem:$0x1FD00] =	vst v63  }
0xad: {  	_ =	swait.ge [sflag:s18], $0x80  }
0xae: {  	[sflag:s18] =	ssyncset.done $0x0  }
0xaf: {  	s29 =	sadd.s32 $0x20, s29;
	[sflag:s18] =	ssyncadd.s32 $0xFFFFFF80  }
.Ltmp7:
0xb0: {  	_ = 	snop;
	(pc) =	sbr.rel .LBB2_4-.Ltmp7, $1  }
0xb1: {  	_ =	sdelay $0x3  }
.LBB2_9:
0xb2: {  	_ =	sfence.sel $0x180000  }
0xb3: {  	[bflag:$0x0] =	sbarrier.arrive $0xFFFF  }
0xb4: {  	p0 =	sne.s32 s3, $0x0;
	_ =	strace $0x90000047  }
0xb5: {  	s0 =	sadd.s32 @!p0 $0x100000, s0;
	[bflag:$0x2] =	sbarrier.arrive $0xFFFF  }
0xb6: {  	[sflag:s0] =	ssyncadd.tile.s32 @!p0 $0x1;
	_ =	shalt  }
.Lfunc_end2:
_tile_overlayer_lowered:
.L_overlay_start_2:
0xb7: {  	(tag) =	ssettag $0x2  }
0xb8: {  	s0 =	rddreg [dreg:$0x0];
	s2 =	stileid.u32  }
0xb9: {  	s1 =	rddreg [dreg:$0x1];
	p0 =	sne.s32 s2, $0x0  }
0xba: {  	s3 =	rddreg [dreg:$0x2];
	[bflag:$0x3] =	sbarrier.arrive $0xFFFF;
	s2 =	simm.s32 @!p0 $0x1C03  }
0xbb: {  	[timem:s3], [sflag:s2] =	dma.local @!p0 [hbm:s0], s1  }
0xbc: {  	s0 =	simm.s32 @!p0 $0x3  }
0xbd: {  	_ =	swait.ge @!p0 [sflag:s0], s1  }
0xbe: {  	s1 =	ssub.s32 @!p0 $0x0, s1;
	[sflag:s0] =	ssyncset.done @!p0 $0x0  }
0xbf: {  	[sflag:s0] =	ssyncadd.s32 @!p0 s1  }
0xc0: {  	[bflag:$0x3] =	sbarrier.arrive $0xFFFF  }
0xc1: {  	_ =	shalt  }

// kernel: kernel.15.cloned.1.call-start
scs
__scs_entry_jumppad:
0x0: {  	(pc) =	sbr.rel $0x88, $3  }
0x1: {  	(tag) =	ssettag $0x0;
	lr =	simm.s32 $0x1  }
0x2: {  	[smem:$0x3F97] =	sst lr;
	_ =	strace $0xD0000000  }
0x3: {  	_ = 	snop  }
0x4: {  	_ = 	snop  }
0x5: {  	_ = 	snop  }
0x6: {  	_ = 	snop  }
0x7: {  	_ = 	snop  }
__scs_overlays_trampoline_lowered:
0x8: {  	[smem:$0x3FA6] =	sst s0  }
0x9: {  	[smem:$0x3FA7] =	sst s1  }
0xa: {  	[smem:$0x3FA8] =	sst s2  }
0xb: {  	[smem:$0x3FA9] =	sst s3  }
0xc: {  	[smem:$0x3FAA] =	sst s4  }
0xd: {  	[smem:$0x3FAB] =	sst s5  }
0xe: {  	[smem:$0x3FAC] =	sst s6  }
0xf: {  	[smem:$0x3FAD] =	sst s7  }
0x10: {  	[smem:$0x3FAE] =	sst s8  }
0x11: {  	[smem:$0x3FAF] =	sst s9;
	s0 =	simm.s32 @!p0 $0x0  }
0x12: {  	s1 =	sld [smem:$0x3F95];
	s0 =	simm.s32 @p0 $0x1  }
0x13: {  	[smem:$0x3FB0] =	sst s0;
	s0 =	simm.s32 @!p1 $0x0  }
0x14: {  	s2 =	sld [smem:$0x3F94];
	s0 =	simm.s32 @p1 $0x1  }
0x15: {  	[smem:$0x3FB1] =	sst s0;
	s0 =	simm.s32 @!p2 $0x0  }
0x16: {  	s3 =	sld [smem:$0x3FDB];
	s0 =	simm.s32 @p2 $0x1  }
0x17: {  	s4 =	simm.s32 $0x1BF5;
	[smem:$0x3FB3] =	sst s0  }
0x18: {  	s0 =	sld [smem:$0x3F96];
	_ =	swait.ge [sflag:s4], $0x0  }
0x19: {  	s7 =	sld [smem:$0x3F97]  }
0x1a: {  	s8 =	sadd.s32 $0xFFFFE003, lr  }
0x1b: {  	s9 =	sadd.s32 $0xFFFFFEF7, lr;
	s5 =	simm.s32 $0xFFFFFFFF;
	p2 =	slt.u32 s8, $0xFFFFF086  }
0x1c: {  	p1 =	slt.u32 s9, $0xF7A;
	s5 =	simm.s32 @!p2 $0x0  }
0x1d: {  	s5 =	simm.s32 @p1 $0x1;
	p0 =	seq.s32 s7, s2  }
0x1e: {  	s7 =	smul.u32 @!p0 $0xF7A, s2;
	p2 =	seq.s32 @!p0 s5, $0x0  }
0x1f: {  	s9 =	smul.u32 $0xF7A, s1;
	s8 =	simm.s32 @!p0 $0x1BF5;
	p2 =	por !p2, p0  }
0x20: {  	[sflag:s8] =	ssyncset.s32 @!p0 $0xFFFFF086;
	s6 =	sadd.s32 @!p0 s3, s7;
	s7 =	simm.s32 @!p0 $0x108  }
0x21: {  	s3 =	sadd.s32 s3, s9;
	s6 =	sadd.s32 @!p0 $0x88, s6;
	s7 =	simm.s32 @p2 $0x1082  }
0x22: {  	[simem:s7], [sflag:s8] =	dma.local @!p0 [hbm:s6], $0xF7A  }
0x23: {  	s9 =	sor.u32 $0xD0000000, s2;
	s6 =	simm.s32 $0x108;
	_ =	swait.ge @!p0 [sflag:s8], $0x0  }
0x24: {  	s3 =	sadd.s32 $0x88, s3;
	s6 =	simm.s32 @!p1 $0x1082;
	[sflag:s4] =	ssyncset.s32 $0xFFFFF086  }
0x25: {  	[simem:s6], [sflag:s4] =	dma.local [hbm:s3], $0xF7A  }
0x26: {  	[smem:$0x3F97] =	sst s1;
	(tag) =	ssettag s2;
	_ =	strace s9  }
0x27: {  	s1 =	sld [smem:$0x3FA7]  }
0x28: {  	s2 =	sld [smem:$0x3FA8]  }
0x29: {  	s4 =	sld [smem:$0x3FAA]  }
0x2a: {  	p0 =	seq.s32 s5, $0x0;
	s5 =	sld [smem:$0x3FAB]  }
0x2b: {  	s6 =	sld [smem:$0x3FAC]  }
0x2c: {  	s7 =	sld [smem:$0x3FAD]  }
0x2d: {  	s3 =	simm.s32 $0x108;
	s8 =	sld [smem:$0x3FAE]  }
0x2e: {  	s3 =	simm.s32 @!p0 $0x1082;
	s9 =	sld [smem:$0x3FAF]  }
0x2f: {  	lr =	sadd.s32 s0, s3;
	s0 =	sld [smem:$0x3FA6]  }
0x30: {  	s3 =	sld [smem:$0x3FA9]  }
0x31: {  	[smem:$0x3FB2] =	sst s10  }
0x32: {  	s10 =	sld [smem:$0x3FB0];
	_ =	sdelay $0x3  }
0x33: {  	p0 =	seq.s32 s10, $0x1;
	s10 =	sld [smem:$0x3FB2];
	_ =	sdelay $0x3  }
0x34: {  	[smem:$0x3FB2] =	sst s10  }
0x35: {  	s10 =	sld [smem:$0x3FB1];
	_ =	sdelay $0x3  }
0x36: {  	p1 =	seq.s32 s10, $0x1;
	s10 =	sld [smem:$0x3FB2];
	_ =	sdelay $0x3  }
0x37: {  	[smem:$0x3FB2] =	sst s10  }
0x38: {  	s10 =	sld [smem:$0x3FB3]  }
0x39: {  	_ = 	snop;
	(pc) =	sbr.ind lr, $3  }
0x3a: {  	_ = 	snop  }
0x3b: {  	_ = 	snop  }
0x3c: {  	p2 =	seq.s32 s10, $0x1;
	s10 =	sld [smem:$0x3FB2]  }
0x3d: {  	_ =	shalt  }
0x3e: {  	_ =	shalt  }
0x3f: {  	_ =	shalt  }
0x40: {  	_ =	shalt  }
0x41: {  	_ =	shalt  }
0x42: {  	_ =	shalt  }
0x43: {  	_ =	shalt  }
0x44: {  	_ =	shalt  }
0x45: {  	_ =	shalt  }
0x46: {  	_ =	shalt  }
0x47: {  	_ =	shalt  }
0x48: {  	_ =	shalt  }
0x49: {  	_ =	shalt  }
0x4a: {  	_ =	shalt  }
0x4b: {  	_ =	shalt  }
0x4c: {  	_ =	shalt  }
0x4d: {  	_ =	shalt  }
0x4e: {  	_ =	shalt  }
0x4f: {  	_ =	shalt  }
0x50: {  	_ =	shalt  }
0x51: {  	_ =	shalt  }
0x52: {  	_ =	shalt  }
0x53: {  	_ =	shalt  }
0x54: {  	_ =	shalt  }
0x55: {  	_ =	shalt  }
0x56: {  	_ =	shalt  }
0x57: {  	_ =	shalt  }
0x58: {  	_ =	shalt  }
0x59: {  	_ =	shalt  }
0x5a: {  	_ =	shalt  }
0x5b: {  	_ =	shalt  }
0x5c: {  	_ =	shalt  }
0x5d: {  	_ =	shalt  }
0x5e: {  	_ =	shalt  }
0x5f: {  	_ =	shalt  }
0x60: {  	_ =	shalt  }
0x61: {  	_ =	shalt  }
0x62: {  	_ =	shalt  }
0x63: {  	_ =	shalt  }
0x64: {  	_ =	shalt  }
0x65: {  	_ =	shalt  }
0x66: {  	_ =	shalt  }
0x67: {  	_ =	shalt  }
0x68: {  	_ =	shalt  }
0x69: {  	_ =	shalt  }
0x6a: {  	_ =	shalt  }
0x6b: {  	_ =	shalt  }
0x6c: {  	_ =	shalt  }
0x6d: {  	_ =	shalt  }
0x6e: {  	_ =	shalt  }
0x6f: {  	_ =	shalt  }
0x70: {  	_ =	shalt  }
0x71: {  	_ =	shalt  }
0x72: {  	_ =	shalt  }
0x73: {  	_ =	shalt  }
0x74: {  	_ =	shalt  }
0x75: {  	_ =	shalt  }
0x76: {  	_ =	shalt  }
0x77: {  	_ =	shalt  }
0x78: {  	_ =	shalt  }
0x79: {  	_ =	shalt  }
0x7a: {  	_ =	shalt  }
0x7b: {  	_ =	shalt  }
0x7c: {  	_ =	shalt  }
0x7d: {  	_ =	shalt  }
0x7e: {  	_ =	shalt  }
0x7f: {  	_ =	shalt  }
0x80: {  	_ =	shalt  }
0x81: {  	_ =	shalt  }
0x82: {  	_ =	shalt  }
0x83: {  	_ =	shalt  }
0x84: {  	_ =	shalt  }
0x85: {  	_ =	shalt  }
0x86: {  	_ =	shalt  }
0x87: {  	_ =	shalt  }
.Lfunc_end0:
.L_simem_size_0:
called_computation.2_lowered:
.L_overlay_start_0:
0x88: {  	s2 =	sld [smem:$0x3FD9]  }
0x89: {  	s3 =	sld [smem:$0x3FFE];
	_ =	sdelay $0x1  }
0x8a: {  	s1 =	srdreg.scid  }
0x8b: {  	s0 =	sand.u32 $0x1, s1  }
0x8c: {  	s17 =	sshll.u32 s0, $0xA;
	s2 =	sadd.s32 s3, s2  }
0x8d: {  	s2 =	sadd.s32 s2, s17  }
0x8e: {  	[smem:$0x3FBE] =	sst s2  }
0x8f: {  	_ = 	snop  }
0x90: {  	s2 =	sld [smem:$0x3FD0];
	(tm) =	ssettm $0x1  }
0x91: {  	s18 =	sld [smem:$0x3FFB];
	_ =	sdelay $0x3  }
0x92: {  	_ =	strace s18  }
0x93: {  	s3 =	sld [smem:$0x3FFC];
	_ =	sdelay $0x3  }
0x94: {  	_ =	strace s3  }
0x95: {  	s3 =	sld [smem:$0x3FFD];
	_ =	sdelay $0x3  }
0x96: {  	_ =	strace s3  }
0x97: {  	_ =	strace $0x8FFFFFFF  }
0x98: {  	s19 =	sld [smem:$0x3FDB];
	_ =	sdelay $0x1  }
0x99: {  	s4 =	simm.s32 $_scs_section_size  }
0x9a: {  	s5 =	simm.s32 $_size__tile_overlayer_lowered;
	s6 =	simm.s32 $_tile_overlayer_lowered  }
0x9b: {  	s22 =	simm.s32 $0x1BFF;
	s21 =	sshll.u32 s6, $0x1;
	s3 =	sadd.s32 s4, s19  }
0x9c: {  	s7 =	simm.s32 $0x0;
	s20 =	sshll.u32 s5, $0x1;
	s5 =	sadd.s32 s21, s3  }
0x9d: {  	[timem:s7], [sflag:s22] =	dma.local [hbm:s5], s20  }
0x9e: {  	_ =	swait.ge [sflag:s22], s20  }
0x9f: {  	s4 =	ssub.s32 $0x0, s20;
	[sflag:s22] =	ssyncset.done $0x0  }
0xa0: {  	[sflag:s22] =	ssyncadd.s32 s4;
	_ =	sdelay $0x1  }
0xa1: {  	s23 =	simm.s32 $0x1B8B  }
0xa2: {  	_ =	swait.ge [sflag:s23], $0x1  }
0xa3: {  	[sflag:s23] =	ssyncset.done $0x0  }
0xa4: {  	s25 =	simm.s32 $0x1B8E;
	s24 =	sld [smem:$0x3FFE];
	[sflag:s23] =	ssyncadd.s32 $0xFFFFFFFF  }
0xa5: {  	s26 =	simm.s32 $execute0_lowered;
	[smem:$0x3FD2] =	sst s25  }
0xa6: {  	s5 =	sshll.u32 s26, $0x1;
	_ =	strace $0x8000004C;
	[dreg:$0x1] =	wrdreg $0xFFFFFFFF  }
0xa7: {  	s28 =	simm.s32 $_size_execute0_lowered;
	s3 =	sadd.s32 s3, s5;
	[dreg:$0x0] =	wrdreg $0x0  }
0xa8: {  	s5 =	sshll.u32 s28, $0x1;
	[dreg:$0x2] =	wrdreg s3  }
0xa9: {  	[dreg:$0x3] =	wrdreg s5  }
0xaa: {  	[dreg:$0x4] =	wrdreg $0xC0  }
0xab: {  	_ =	task [dreg:s7], $0x5FFFF  }
0xac: {  	[dreg:$0x1] =	wrdreg $0xFFFFFFFF  }
0xad: {  	[dreg:$0x0] =	wrdreg $0x60  }
0xae: {  	[dreg:$0x2] =	wrdreg s2  }
0xaf: {  	[dreg:$0x3] =	wrdreg s24  }
0xb0: {  	[dreg:$0x4] =	wrdreg $0xC1000  }
0xb1: {  	[dreg:$0x5] =	wrdreg $0x9  }
0xb2: {  	_ =	task.clear_ibuf [dreg:s7], $0x6FFFF;
	_ =	strace $0x9000004C  }
0xb3: {  	s29 =	simm.s32 $0x9;
	_ =	strace $0x8000004E  }
0xb4: {  	_ =	swait.ge [sflag:s29], $0x1  }
0xb5: {  	[sflag:s29] =	ssyncadd.s32 $0xFFFFFFFF  }
0xb6: {  	_ =	strace $0x9000004E  }
0xb7: {  	_ =	sfence  }
0xb8: {  	s30 =	sld [smem:$0x0];
	_ =	sdelay $0x2  }
0xb9: {  	s31 =	sshll.u32 s1, $0xD;
	s1 =	sshrl.u32 s1, $0x2  }
0xba: {  	s3 =	sand.u32 $0x4000, s31;
	s1 =	sadd.s32 s1, s30  }
0xbb: {  	s0 =	sor.u32 s3, s0;
	s1 =	sshll.u32 s1, $0x11  }
0xbc: {  	s0 =	sor.u32 s1, s0  }
0xbd: {  	s0 =	sadd.s32 $0x8F2B, s0  }
0xbe: {  	[sflag:s0] =	ssyncadd.remote.s32 $0x1  }
0xbf: {  	_ =	sfence.sel $0xFFFF  }
0xc0: {  	[dreg:$0x0] =	wrdreg $0xFFFFFFFF;
	(pc) =	sbr.abs _section_cstart, $3  }
0xc1: {  	[dreg:$0x1] =	wrdreg $0xFFFFFFFF  }
0xc2: {  	_ =	task.clear_ibuf [dreg:s7], $0x2FFFF;
	_ =	strace $0x9FFFFFFF  }
0xc3: {  	(tm) =	ssettm $0x7FFFFFFF  }
tec
execute0_lowered:
.L_overlay_start_1:
0x0: {  	(tag) =	ssettag $0x1  }
0x1: {  	s1 =	rddreg [dreg:$0x0]  }
0x2: {  	s6 =	rddreg [dreg:$0x1]  }
0x3: {  	s2 =	rddreg [dreg:$0x2]  }
0x4: {  	s3 =	srdreg.scid;
	s0 =	rddreg [dreg:$0x3];
	s4 =	simm.s32 $0x0  }
0x5: {  	s18 =	simm.s32 $0x3;
	s19 =	simm.s32 $0x4000;
	s20 =	simm.s32 $0x80  }
0x6: {  	s21 =	simm.s32 $0x4100;
	s22 =	simm.s32 $0x4080;
	s23 =	simm.s32 $0x8100  }
0x7: {  	s24 =	simm.s32 $0x1;
	s25 =	simm.s32 $0x2;
	s7 =	sand.u32 $0x1, s3  }
0x8: {  	s26 =	simm.s32 $0x0;
	s3 =	stileid.u32;
	s5 =	smul.u32 $0x13C000, s7  }
0x9: {  	[smem:$0x7FF] =	sst s4;
	s9 =	sadd.s32 $0x1CC00, s6;
	s8 =	smul.u32 $0x13C00, s3  }
0xa: {  	_ =	strace $0x8000004D;
	s10 =	sshll.u32 s3, $0xB;
	s12 =	smul.u32 $0x4F000, s3  }
0xb: {  	s13 =	ssub.s32 $0x2, s7;
	s30 =	sshll.u32 s3, $0x6;
	p0 =	seq.s32 s7, $0x1  }
0xc: {  	s31 =	sshll.u32 s3, $0x9;
	s11 =	sadd.s32 s10, s6;
	s28 =	sshrl.u32 s13, $0x1  }
0xd: {  	s16 =	sadd.s32 s9, s10;
	s8 =	sadd.s32 s8, s5;
	s5 =	sadd.s32 $0x26C00, s6  }
0xe: {  	s29 =	sshrl.u32 s12, $0x2;
	s15 =	ssub.s32 s13, s28;
	s7 =	sadd.s32 $0x14C00, s11  }
.Ltmp0:
0xf: {  	s10 =	sadd.s32 $0xCC00, s11;
	s11 =	sadd.s32 $0x2000, s16;
	(pc) =	sbr.rel .LBB2_1-.Ltmp0, $4  }
0x10: {  	s12 =	sadd.s32 $0x2010, s16;
	s16 =	sadd.s32 $0x2030, s16;
	s8 =	sshrl.u32 s8, $0x3  }
0x11: {  	s17 =	sadd.s32 s29, s2;
	s14 =	sadd.s32 s8, s6;
	s8 =	sadd.s32 s9, s31  }
0x12: {  	s6 =	sor.u32 $0x1C03, s30;
	s17 =	sshrl.u32 s17, $0x3;
	s9 =	sadd.s32 $0x10, s8  }
0x13: {  	s13 =	sadd.s32 $0x29400, s14;
	s14 =	smax.u32 s15, $0x1;
	s15 =	sadd.s32 $0x30, s8  }
.LBB2_4:
0x14: {  	[tilespmem:s23], [sflag:$0x2] =	stream.indirect.gather [hbm4b:s1+s20], $0x80, s22, s20, $0xb8;
	[tilespmem:$0x1FD00] =	vst v63  }
0x15: {  	s28 =	simm.s32 $0xF80;
	s29 =	simm.s32 $0xF00  }
.LBB2_8:
0x16: {  	_ =	swait.ge [sflag:s24], $0x4000  }
0x17: {  	[sflag:s24] =	ssyncset.done $0x0  }
0x18: {  	[sflag:s24] =	ssyncadd.s32 $0xFFFFC000  }
0x19: {  	[spmem:s2] =	stream.indirect.scatter.add.f32 [tilespmem:s21], [sflag:$0x3], $0x80, s29, s20, $0xb8;
	[tilespmem:$0x1FD00] =	vst v63  }
0x1a: {  	_ =	swait.ge [sflag:s18], $0x4000  }
0x1b: {  	[sflag:s18] =	ssyncset.done $0x0  }
0x1c: {  	[sflag:s18] =	ssyncadd.s32 $0xFFFFC000  }
0x1d: {  	_ =	swait.ge [sflag:s25], $0x4000  }
0x1e: {  	[sflag:s25] =	ssyncset.done $0x0  }
0x1f: {  	[sflag:s25] =	ssyncadd.s32 $0xFFFFC000  }
0x20: {  	[spmem:s2] =	stream.indirect.scatter.add.f32 [tilespmem:s23], [sflag:$0x3], $0x80, s28, s20, $0xb8;
	[tilespmem:$0x1FD00] =	vst v63  }
0x21: {  	_ =	swait.ge [sflag:s18], $0x4000  }
0x22: {  	s26 =	sadd.s32 $0x1, s26;
	[sflag:s18] =	ssyncset.done $0x0  }
0x23: {  	p1 =	sne.s32 s26, s14;
	[sflag:s18] =	ssyncadd.s32 $0xFFFFC000  }
.Ltmp1:
0x24: {  	[bflag:$0x0] =	sbarrier.arrive $0xFFFF;
	(pc) =	sbr.rel @!p1 .LBB2_9-.Ltmp1, $4  }
0x25: {  	[hbm:s13], [sflag:s6] =	dma.local [spmem:s17], $0x2780  }
0x26: {  	_ =	swait.ge [sflag:s18], $0x2780  }
0x27: {  	[sflag:s18] =	ssyncset.done $0x0  }
0x28: {  	[sflag:s18] =	ssyncadd.s32 $0xFFFFD880  }
.LBB2_1:
.Ltmp2:
0x29: {  	(pc) =	sbr.rel @!p0 .LBB2_2-.Ltmp2, $4  }
0x2a: {  	[spmem:s17], [sflag:s6] =	dma.local [hbm:s5], $0x2780  }
0x2b: {  	_ =	swait.ge [sflag:s18], $0x2780  }
0x2c: {  	[sflag:s18] =	ssyncset.done $0x0  }
0x2d: {  	s28 =	simm.s32 $0x0;
	[sflag:s18] =	ssyncadd.s32 $0xFFFFD880  }
0x2e: {  	[tilespmem:s28], [sflag:$0x3] =	stream.linear.gather [hbm4b:s10+s28], $0x4000, $0x38;
	[tilespmem:$0x1FD00] =	vst v63  }
0x2f: {  	_ =	swait.ge [sflag:s18], $0x4000  }
0x30: {  	[sflag:s18] =	ssyncset.done $0x0  }
0x31: {  	[sflag:s18] =	ssyncadd.s32 $0xFFFFC000  }
0x32: {  	[tilespmem:s19], [sflag:$0x3] =	stream.linear.gather [hbm4b:s11+s28], $0x80, $0x38;
	[tilespmem:$0x1FD00] =	vst v63  }
0x33: {  	_ =	swait.ge [sflag:s18], $0x80  }
0x34: {  	[sflag:s18] =	ssyncset.done $0x0  }
0x35: {  	[sflag:s18] =	ssyncadd.s32 $0xFFFFFF80  }
0x36: {  	[tilespmem:s21], [sflag:$0x1] =	stream.indirect.gather [hbm4b:s1+s20], $0x80, s19, s20, $0xb8;
	[tilespmem:$0x1FD00] =	vst v63  }
0x37: {  	_ = 	snop  }
0x38: {  	[tilespmem:s22], [sflag:$0x3] =	stream.linear.gather [hbm4b:s12+s28], $0x80, $0x38;
	[tilespmem:$0x1FD00] =	vst v63  }
0x39: {  	_ =	swait.ge [sflag:s18], $0x80  }
0x3a: {  	[sflag:s18] =	ssyncset.done $0x0  }
0x3b: {  	[sflag:s18] =	ssyncadd.s32 $0xFFFFFF80  }
0x3c: {  	[tilespmem:s23], [sflag:$0x2] =	stream.indirect.gather [hbm4b:s1+s20], $0x80, s22, s20, $0xb8;
	[tilespmem:$0x1FD00] =	vst v63  }
0x3d: {  	_ =	swait.ge [sflag:s24], $0x4000  }
0x3e: {  	[sflag:s24] =	ssyncset.done $0x0  }
0x3f: {  	s28 =	simm.s32 $0x0;
	[sflag:s24] =	ssyncadd.s32 $0xFFFFC000  }
0x40: {  	[spmem:s2] =	stream.indirect.scatter.add.f32 [tilespmem:s21], [sflag:$0x3], $0x80, s28, s20, $0xb8;
	[tilespmem:$0x1FD00] =	vst v63  }
0x41: {  	_ =	swait.ge [sflag:s18], $0x4000  }
0x42: {  	[sflag:s18] =	ssyncset.done $0x0  }
0x43: {  	s28 =	sadd.s32 $0xFFFFFFF0, s16;
	[sflag:s18] =	ssyncadd.s32 $0xFFFFC000  }
0x44: {  	[tilespmem:s19], [sflag:$0x3] =	stream.linear.gather [hbm4b:s28+s4], $0x80, $0x38;
	[tilespmem:$0x1FD00] =	vst v63  }
0x45: {  	_ =	swait.ge [sflag:s18], $0x80  }
0x46: {  	[sflag:s18] =	ssyncset.done $0x0  }
0x47: {  	[sflag:s18] =	ssyncadd.s32 $0xFFFFFF80  }
0x48: {  	[tilespmem:s21], [sflag:$0x1] =	stream.indirect.gather [hbm4b:s1+s20], $0x80, s19, s20, $0xb8;
	[tilespmem:$0x1FD00] =	vst v63  }
0x49: {  	_ =	swait.ge [sflag:s25], $0x4000  }
0x4a: {  	[sflag:s25] =	ssyncset.done $0x0  }
0x4b: {  	s28 =	simm.s32 $0x80;
	[sflag:s25] =	ssyncadd.s32 $0xFFFFC000  }
0x4c: {  	[spmem:s2] =	stream.indirect.scatter.add.f32 [tilespmem:s23], [sflag:$0x3], $0x80, s28, s20, $0xb8;
	[tilespmem:$0x1FD00] =	vst v63  }
0x4d: {  	_ =	swait.ge [sflag:s18], $0x4000  }
0x4e: {  	[sflag:s18] =	ssyncset.done $0x0  }
0x4f: {  	[sflag:s18] =	ssyncadd.s32 $0xFFFFC000  }
0x50: {  	[tilespmem:s22], [sflag:$0x3] =	stream.linear.gather [hbm4b:s16+s4], $0x80, $0x38;
	[tilespmem:$0x1FD00] =	vst v63  }
0x51: {  	_ =	swait.ge [sflag:s18], $0x80  }
0x52: {  	[sflag:s18] =	ssyncset.done $0x0  }
0x53: {  	s29 =	sadd.s32 $0x20, s16;
	s28 =	simm.s32 $0x400;
	[sflag:s18] =	ssyncadd.s32 $0xFFFFFF80  }
.LBB2_6:
0x54: {  	[tilespmem:s23], [sflag:$0x2] =	stream.indirect.gather [hbm4b:s1+s20], $0x80, s22, s20, $0xb8;
	[tilespmem:$0x1FD00] =	vst v63  }
0x55: {  	s30 =	smov.u32 s28  }
0x56: {  	p1 =	sne.s32 s28, $0xF800;
	s28 =	sadd.s32 $0x400, s28;
	_ =	swait.ge [sflag:s24], $0x4000  }
0x57: {  	[sflag:s24] =	ssyncset.done $0x0  }
0x58: {  	s30 =	sshra.s32 s30, $0x2;
	[sflag:s24] =	ssyncadd.s32 $0xFFFFC000  }
0x59: {  	[spmem:s2] =	stream.indirect.scatter.add.f32 [tilespmem:s21], [sflag:$0x3], $0x80, s30, s20, $0xb8;
	[tilespmem:$0x1FD00] =	vst v63  }
0x5a: {  	_ =	swait.ge [sflag:s18], $0x4000  }
0x5b: {  	[sflag:s18] =	ssyncset.done $0x0  }
0x5c: {  	s31 =	sadd.s32 $0xFFFFFFF0, s29;
	[sflag:s18] =	ssyncadd.s32 $0xFFFFC000  }
0x5d: {  	[tilespmem:s19], [sflag:$0x3] =	stream.linear.gather [hbm4b:s31+s4], $0x80, $0x38;
	[tilespmem:$0x1FD00] =	vst v63  }
0x5e: {  	_ =	swait.ge [sflag:s18], $0x80  }
0x5f: {  	[sflag:s18] =	ssyncset.done $0x0  }
0x60: {  	[sflag:s18] =	ssyncadd.s32 $0xFFFFFF80  }
0x61: {  	[tilespmem:s21], [sflag:$0x1] =	stream.indirect.gather [hbm4b:s1+s20], $0x80, s19, s20, $0xb8;
	[tilespmem:$0x1FD00] =	vst v63  }
0x62: {  	_ =	swait.ge [sflag:s25], $0x4000  }
0x63: {  	[sflag:s25] =	ssyncset.done $0x0  }
0x64: {  	s30 =	sadd.s32 $0x80, s30;
	[sflag:s25] =	ssyncadd.s32 $0xFFFFC000  }
0x65: {  	[spmem:s2] =	stream.indirect.scatter.add.f32 [tilespmem:s23], [sflag:$0x3], $0x80, s30, s20, $0xb8;
	[tilespmem:$0x1FD00] =	vst v63  }
0x66: {  	_ =	swait.ge [sflag:s18], $0x4000  }
0x67: {  	[sflag:s18] =	ssyncset.done $0x0  }
.Ltmp3:
0x68: {  	[sflag:s18] =	ssyncadd.s32 $0xFFFFC000;
	(pc) =	sbr.rel @p1 .LBB2_6-.Ltmp3, $4  }
0x69: {  	[tilespmem:s22], [sflag:$0x3] =	stream.linear.gather [hbm4b:s29+s4], $0x80, $0x38;
	[tilespmem:$0x1FD00] =	vst v63  }
0x6a: {  	_ =	swait.ge [sflag:s18], $0x80  }
0x6b: {  	[sflag:s18] =	ssyncset.done $0x0  }
0x6c: {  	s29 =	sadd.s32 $0x20, s29;
	[sflag:s18] =	ssyncadd.s32 $0xFFFFFF80  }
.Ltmp4:
0x6d: {  	(pc) =	sbr.rel .LBB2_8-.Ltmp4, $3  }
0x6e: {  	_ =	sdelay $0x1  }
0x6f: {  	[tilespmem:s23], [sflag:$0x2] =	stream.indirect.gather [hbm4b:s1+s20], $0x80, s22, s20, $0xb8;
	[tilespmem:$0x1FD00] =	vst v63  }
0x70: {  	s28 =	simm.s32 $0x3F80;
	s29 =	simm.s32 $0x3F00  }
.LBB2_2:
0x71: {  	[tilespmem:s28], [sflag:$0x3] =	stream.linear.gather [hbm4b:s7+s28], $0x4000, $0x38;
	[tilespmem:$0x1FD00] =	vst v63  }
0x72: {  	_ =	swait.ge [sflag:s18], $0x4000  }
0x73: {  	[sflag:s18] =	ssyncset.done $0x0  }
0x74: {  	[sflag:s18] =	ssyncadd.s32 $0xFFFFC000  }
0x75: {  	[tilespmem:s19], [sflag:$0x3] =	stream.linear.gather [hbm4b:s8+s28], $0x80, $0x38;
	[tilespmem:$0x1FD00] =	vst v63  }
0x76: {  	_ =	swait.ge [sflag:s18], $0x80  }
0x77: {  	[sflag:s18] =	ssyncset.done $0x0  }
0x78: {  	[sflag:s18] =	ssyncadd.s32 $0xFFFFFF80  }
0x79: {  	[tilespmem:s21], [sflag:$0x1] =	stream.indirect.gather [hbm4b:s1+s20], $0x80, s19, s20, $0xb8;
	[tilespmem:$0x1FD00] =	vst v63  }
0x7a: {  	_ = 	snop  }
0x7b: {  	[tilespmem:s22], [sflag:$0x3] =	stream.linear.gather [hbm4b:s9+s28], $0x80, $0x38;
	[tilespmem:$0x1FD00] =	vst v63  }
0x7c: {  	_ =	swait.ge [sflag:s18], $0x80  }
0x7d: {  	[sflag:s18] =	ssyncset.done $0x0  }
0x7e: {  	[sflag:s18] =	ssyncadd.s32 $0xFFFFFF80  }
0x7f: {  	[tilespmem:s23], [sflag:$0x2] =	stream.indirect.gather [hbm4b:s1+s20], $0x80, s22, s20, $0xb8;
	[tilespmem:$0x1FD00] =	vst v63  }
0x80: {  	_ =	swait.ge [sflag:s24], $0x4000  }
0x81: {  	[sflag:s24] =	ssyncset.done $0x0  }
0x82: {  	s28 =	simm.s32 $0x0;
	[sflag:s24] =	ssyncadd.s32 $0xFFFFC000  }
0x83: {  	[spmem:s2] =	stream.indirect.scatter.add.f32 [tilespmem:s21], [sflag:$0x3], $0x80, s28, s20, $0xb8;
	[tilespmem:$0x1FD00] =	vst v63  }
0x84: {  	_ =	swait.ge [sflag:s18], $0x4000  }
0x85: {  	[sflag:s18] =	ssyncset.done $0x0  }
0x86: {  	s28 =	sadd.s32 $0xFFFFFFF0, s15;
	[sflag:s18] =	ssyncadd.s32 $0xFFFFC000  }
0x87: {  	[tilespmem:s19], [sflag:$0x3] =	stream.linear.gather [hbm4b:s28+s4], $0x80, $0x38;
	[tilespmem:$0x1FD00] =	vst v63  }
0x88: {  	_ =	swait.ge [sflag:s18], $0x80  }
0x89: {  	[sflag:s18] =	ssyncset.done $0x0  }
0x8a: {  	[sflag:s18] =	ssyncadd.s32 $0xFFFFFF80  }
0x8b: {  	[tilespmem:s21], [sflag:$0x1] =	stream.indirect.gather [hbm4b:s1+s20], $0x80, s19, s20, $0xb8;
	[tilespmem:$0x1FD00] =	vst v63  }
0x8c: {  	_ =	swait.ge [sflag:s25], $0x4000  }
0x8d: {  	[sflag:s25] =	ssyncset.done $0x0  }
0x8e: {  	s28 =	simm.s32 $0x80;
	[sflag:s25] =	ssyncadd.s32 $0xFFFFC000  }
0x8f: {  	[spmem:s2] =	stream.indirect.scatter.add.f32 [tilespmem:s23], [sflag:$0x3], $0x80, s28, s20, $0xb8;
	[tilespmem:$0x1FD00] =	vst v63  }
0x90: {  	_ =	swait.ge [sflag:s18], $0x4000  }
0x91: {  	p1 =	por $0x0, $0x0;
	[sflag:s18] =	ssyncset.done $0x0  }
.Ltmp5:
0x92: {  	[sflag:s18] =	ssyncadd.s32 $0xFFFFC000;
	(pc) =	sbr.rel @p1 .LBB2_4-.Ltmp5, $4  }
0x93: {  	[tilespmem:s22], [sflag:$0x3] =	stream.linear.gather [hbm4b:s15+s4], $0x80, $0x38;
	[tilespmem:$0x1FD00] =	vst v63  }
0x94: {  	_ =	swait.ge [sflag:s18], $0x80  }
0x95: {  	[sflag:s18] =	ssyncset.done $0x0  }
0x96: {  	s29 =	sadd.s32 $0x20, s15;
	s28 =	simm.s32 $0x400;
	[sflag:s18] =	ssyncadd.s32 $0xFFFFFF80  }
.LBB2_3:
0x97: {  	[tilespmem:s23], [sflag:$0x2] =	stream.indirect.gather [hbm4b:s1+s20], $0x80, s22, s20, $0xb8;
	[tilespmem:$0x1FD00] =	vst v63  }
0x98: {  	s30 =	smov.u32 s28  }
0x99: {  	p1 =	seq.s32 s28, $0x3800;
	s28 =	sadd.s32 $0x400, s28;
	_ =	swait.ge [sflag:s24], $0x4000  }
0x9a: {  	[sflag:s24] =	ssyncset.done $0x0  }
0x9b: {  	s30 =	sshra.s32 s30, $0x2;
	[sflag:s24] =	ssyncadd.s32 $0xFFFFC000  }
0x9c: {  	[spmem:s2] =	stream.indirect.scatter.add.f32 [tilespmem:s21], [sflag:$0x3], $0x80, s30, s20, $0xb8;
	[tilespmem:$0x1FD00] =	vst v63  }
0x9d: {  	_ =	swait.ge [sflag:s18], $0x4000  }
0x9e: {  	[sflag:s18] =	ssyncset.done $0x0  }
0x9f: {  	s31 =	sadd.s32 $0xFFFFFFF0, s29;
	[sflag:s18] =	ssyncadd.s32 $0xFFFFC000  }
0xa0: {  	[tilespmem:s19], [sflag:$0x3] =	stream.linear.gather [hbm4b:s31+s4], $0x80, $0x38;
	[tilespmem:$0x1FD00] =	vst v63  }
0xa1: {  	_ =	swait.ge [sflag:s18], $0x80  }
0xa2: {  	[sflag:s18] =	ssyncset.done $0x0  }
0xa3: {  	[sflag:s18] =	ssyncadd.s32 $0xFFFFFF80  }
0xa4: {  	[tilespmem:s21], [sflag:$0x1] =	stream.indirect.gather [hbm4b:s1+s20], $0x80, s19, s20, $0xb8;
	[tilespmem:$0x1FD00] =	vst v63  }
0xa5: {  	_ =	swait.ge [sflag:s25], $0x4000  }
0xa6: {  	[sflag:s25] =	ssyncset.done $0x0  }
0xa7: {  	s30 =	sadd.s32 $0x80, s30;
	[sflag:s25] =	ssyncadd.s32 $0xFFFFC000  }
0xa8: {  	[spmem:s2] =	stream.indirect.scatter.add.f32 [tilespmem:s23], [sflag:$0x3], $0x80, s30, s20, $0xb8;
	[tilespmem:$0x1FD00] =	vst v63  }
0xa9: {  	_ =	swait.ge [sflag:s18], $0x4000  }
0xaa: {  	[sflag:s18] =	ssyncset.done $0x0  }
.Ltmp6:
0xab: {  	[sflag:s18] =	ssyncadd.s32 $0xFFFFC000;
	(pc) =	sbr.rel @!p1 .LBB2_3-.Ltmp6, $4  }
0xac: {  	[tilespmem:s22], [sflag:$0x3] =	stream.linear.gather [hbm4b:s29+s4], $0x80, $0x38;
	[tilespmem:$0x1FD00] =	vst v63  }
0xad: {  	_ =	swait.ge [sflag:s18], $0x80  }
0xae: {  	[sflag:s18] =	ssyncset.done $0x0  }
0xaf: {  	s29 =	sadd.s32 $0x20, s29;
	[sflag:s18] =	ssyncadd.s32 $0xFFFFFF80  }
.Ltmp7:
0xb0: {  	_ = 	snop;
	(pc) =	sbr.rel .LBB2_4-.Ltmp7, $1  }
0xb1: {  	_ =	sdelay $0x3  }
.LBB2_9:
0xb2: {  	_ =	sfence.sel $0x180000  }
0xb3: {  	[bflag:$0x0] =	sbarrier.arrive $0xFFFF  }
0xb4: {  	p0 =	sne.s32 s3, $0x0;
	_ =	strace $0x9000004D  }
0xb5: {  	s0 =	sadd.s32 @!p0 $0x100000, s0;
	[bflag:$0x2] =	sbarrier.arrive $0xFFFF  }
0xb6: {  	[sflag:s0] =	ssyncadd.tile.s32 @!p0 $0x1;
	_ =	shalt  }
.Lfunc_end2:
_tile_overlayer_lowered:
.L_overlay_start_2:
0xb7: {  	(tag) =	ssettag $0x2  }
0xb8: {  	s0 =	rddreg [dreg:$0x0];
	s2 =	stileid.u32  }
0xb9: {  	s1 =	rddreg [dreg:$0x1];
	p0 =	sne.s32 s2, $0x0  }
0xba: {  	s3 =	rddreg [dreg:$0x2];
	[bflag:$0x3] =	sbarrier.arrive $0xFFFF;
	s2 =	simm.s32 @!p0 $0x1C03  }
0xbb: {  	[timem:s3], [sflag:s2] =	dma.local @!p0 [hbm:s0], s1  }
0xbc: {  	s0 =	simm.s32 @!p0 $0x3  }
0xbd: {  	_ =	swait.ge @!p0 [sflag:s0], s1  }
0xbe: {  	s1 =	ssub.s32 @!p0 $0x0, s1;
	[sflag:s0] =	ssyncset.done @!p0 $0x0  }
0xbf: {  	[sflag:s0] =	ssyncadd.s32 @!p0 s1  }
0xc0: {  	[bflag:$0x3] =	sbarrier.arrive $0xFFFF  }
0xc1: {  	_ =	shalt  }

// kernel: kernel.9.cloned.1.call-start
scs
__scs_entry_jumppad:
0x0: {  	(pc) =	sbr.rel $0x88, $3  }
0x1: {  	(tag) =	ssettag $0x0;
	lr =	simm.s32 $0x1  }
0x2: {  	[smem:$0x3F97] =	sst lr;
	_ =	strace $0xD0000000  }
0x3: {  	_ = 	snop  }
0x4: {  	_ = 	snop  }
0x5: {  	_ = 	snop  }
0x6: {  	_ = 	snop  }
0x7: {  	_ = 	snop  }
__scs_overlays_trampoline_lowered:
0x8: {  	[smem:$0x3FA6] =	sst s0  }
0x9: {  	[smem:$0x3FA7] =	sst s1  }
0xa: {  	[smem:$0x3FA8] =	sst s2  }
0xb: {  	[smem:$0x3FA9] =	sst s3  }
0xc: {  	[smem:$0x3FAA] =	sst s4  }
0xd: {  	[smem:$0x3FAB] =	sst s5  }
0xe: {  	[smem:$0x3FAC] =	sst s6  }
0xf: {  	[smem:$0x3FAD] =	sst s7  }
0x10: {  	[smem:$0x3FAE] =	sst s8  }
0x11: {  	[smem:$0x3FAF] =	sst s9;
	s0 =	simm.s32 @!p0 $0x0  }
0x12: {  	s1 =	sld [smem:$0x3F95];
	s0 =	simm.s32 @p0 $0x1  }
0x13: {  	[smem:$0x3FB0] =	sst s0;
	s0 =	simm.s32 @!p1 $0x0  }
0x14: {  	s2 =	sld [smem:$0x3F94];
	s0 =	simm.s32 @p1 $0x1  }
0x15: {  	[smem:$0x3FB1] =	sst s0;
	s0 =	simm.s32 @!p2 $0x0  }
0x16: {  	s3 =	sld [smem:$0x3FDB];
	s0 =	simm.s32 @p2 $0x1  }
0x17: {  	s4 =	simm.s32 $0x1BF5;
	[smem:$0x3FB3] =	sst s0  }
0x18: {  	s0 =	sld [smem:$0x3F96];
	_ =	swait.ge [sflag:s4], $0x0  }
0x19: {  	s7 =	sld [smem:$0x3F97]  }
0x1a: {  	s8 =	sadd.s32 $0xFFFFE003, lr  }
0x1b: {  	s9 =	sadd.s32 $0xFFFFFEF7, lr;
	s5 =	simm.s32 $0xFFFFFFFF;
	p2 =	slt.u32 s8, $0xFFFFF086  }
0x1c: {  	p1 =	slt.u32 s9, $0xF7A;
	s5 =	simm.s32 @!p2 $0x0  }
0x1d: {  	s5 =	simm.s32 @p1 $0x1;
	p0 =	seq.s32 s7, s2  }
0x1e: {  	s7 =	smul.u32 @!p0 $0xF7A, s2;
	p2 =	seq.s32 @!p0 s5, $0x0  }
0x1f: {  	s9 =	smul.u32 $0xF7A, s1;
	s8 =	simm.s32 @!p0 $0x1BF5;
	p2 =	por !p2, p0  }
0x20: {  	[sflag:s8] =	ssyncset.s32 @!p0 $0xFFFFF086;
	s6 =	sadd.s32 @!p0 s3, s7;
	s7 =	simm.s32 @!p0 $0x108  }
0x21: {  	s3 =	sadd.s32 s3, s9;
	s6 =	sadd.s32 @!p0 $0x88, s6;
	s7 =	simm.s32 @p2 $0x1082  }
0x22: {  	[simem:s7], [sflag:s8] =	dma.local @!p0 [hbm:s6], $0xF7A  }
0x23: {  	s9 =	sor.u32 $0xD0000000, s2;
	s6 =	simm.s32 $0x108;
	_ =	swait.ge @!p0 [sflag:s8], $0x0  }
0x24: {  	s3 =	sadd.s32 $0x88, s3;
	s6 =	simm.s32 @!p1 $0x1082;
	[sflag:s4] =	ssyncset.s32 $0xFFFFF086  }
0x25: {  	[simem:s6], [sflag:s4] =	dma.local [hbm:s3], $0xF7A  }
0x26: {  	[smem:$0x3F97] =	sst s1;
	(tag) =	ssettag s2;
	_ =	strace s9  }
0x27: {  	s1 =	sld [smem:$0x3FA7]  }
0x28: {  	s2 =	sld [smem:$0x3FA8]  }
0x29: {  	s4 =	sld [smem:$0x3FAA]  }
0x2a: {  	p0 =	seq.s32 s5, $0x0;
	s5 =	sld [smem:$0x3FAB]  }
0x2b: {  	s6 =	sld [smem:$0x3FAC]  }
0x2c: {  	s7 =	sld [smem:$0x3FAD]  }
0x2d: {  	s3 =	simm.s32 $0x108;
	s8 =	sld [smem:$0x3FAE]  }
0x2e: {  	s3 =	simm.s32 @!p0 $0x1082;
	s9 =	sld [smem:$0x3FAF]  }
0x2f: {  	lr =	sadd.s32 s0, s3;
	s0 =	sld [smem:$0x3FA6]  }
0x30: {  	s3 =	sld [smem:$0x3FA9]  }
0x31: {  	[smem:$0x3FB2] =	sst s10  }
0x32: {  	s10 =	sld [smem:$0x3FB0];
	_ =	sdelay $0x3  }
0x33: {  	p0 =	seq.s32 s10, $0x1;
	s10 =	sld [smem:$0x3FB2];
	_ =	sdelay $0x3  }
0x34: {  	[smem:$0x3FB2] =	sst s10  }
0x35: {  	s10 =	sld [smem:$0x3FB1];
	_ =	sdelay $0x3  }
0x36: {  	p1 =	seq.s32 s10, $0x1;
	s10 =	sld [smem:$0x3FB2];
	_ =	sdelay $0x3  }
0x37: {  	[smem:$0x3FB2] =	sst s10  }
0x38: {  	s10 =	sld [smem:$0x3FB3]  }
0x39: {  	_ = 	snop;
	(pc) =	sbr.ind lr, $3  }
0x3a: {  	_ = 	snop  }
0x3b: {  	_ = 	snop  }
0x3c: {  	p2 =	seq.s32 s10, $0x1;
	s10 =	sld [smem:$0x3FB2]  }
0x3d: {  	_ =	shalt  }
0x3e: {  	_ =	shalt  }
0x3f: {  	_ =	shalt  }
0x40: {  	_ =	shalt  }
0x41: {  	_ =	shalt  }
0x42: {  	_ =	shalt  }
0x43: {  	_ =	shalt  }
0x44: {  	_ =	shalt  }
0x45: {  	_ =	shalt  }
0x46: {  	_ =	shalt  }
0x47: {  	_ =	shalt  }
0x48: {  	_ =	shalt  }
0x49: {  	_ =	shalt  }
0x4a: {  	_ =	shalt  }
0x4b: {  	_ =	shalt  }
0x4c: {  	_ =	shalt  }
0x4d: {  	_ =	shalt  }
0x4e: {  	_ =	shalt  }
0x4f: {  	_ =	shalt  }
0x50: {  	_ =	shalt  }
0x51: {  	_ =	shalt  }
0x52: {  	_ =	shalt  }
0x53: {  	_ =	shalt  }
0x54: {  	_ =	shalt  }
0x55: {  	_ =	shalt  }
0x56: {  	_ =	shalt  }
0x57: {  	_ =	shalt  }
0x58: {  	_ =	shalt  }
0x59: {  	_ =	shalt  }
0x5a: {  	_ =	shalt  }
0x5b: {  	_ =	shalt  }
0x5c: {  	_ =	shalt  }
0x5d: {  	_ =	shalt  }
0x5e: {  	_ =	shalt  }
0x5f: {  	_ =	shalt  }
0x60: {  	_ =	shalt  }
0x61: {  	_ =	shalt  }
0x62: {  	_ =	shalt  }
0x63: {  	_ =	shalt  }
0x64: {  	_ =	shalt  }
0x65: {  	_ =	shalt  }
0x66: {  	_ =	shalt  }
0x67: {  	_ =	shalt  }
0x68: {  	_ =	shalt  }
0x69: {  	_ =	shalt  }
0x6a: {  	_ =	shalt  }
0x6b: {  	_ =	shalt  }
0x6c: {  	_ =	shalt  }
0x6d: {  	_ =	shalt  }
0x6e: {  	_ =	shalt  }
0x6f: {  	_ =	shalt  }
0x70: {  	_ =	shalt  }
0x71: {  	_ =	shalt  }
0x72: {  	_ =	shalt  }
0x73: {  	_ =	shalt  }
0x74: {  	_ =	shalt  }
0x75: {  	_ =	shalt  }
0x76: {  	_ =	shalt  }
0x77: {  	_ =	shalt  }
0x78: {  	_ =	shalt  }
0x79: {  	_ =	shalt  }
0x7a: {  	_ =	shalt  }
0x7b: {  	_ =	shalt  }
0x7c: {  	_ =	shalt  }
0x7d: {  	_ =	shalt  }
0x7e: {  	_ =	shalt  }
0x7f: {  	_ =	shalt  }
0x80: {  	_ =	shalt  }
0x81: {  	_ =	shalt  }
0x82: {  	_ =	shalt  }
0x83: {  	_ =	shalt  }
0x84: {  	_ =	shalt  }
0x85: {  	_ =	shalt  }
0x86: {  	_ =	shalt  }
0x87: {  	_ =	shalt  }
.Lfunc_end0:
.L_simem_size_0:
called_computation_lowered:
.L_overlay_start_0:
0x88: {  	s2 =	sld [smem:$0x3FD9]  }
0x89: {  	s3 =	sld [smem:$0x3FFE];
	_ =	sdelay $0x1  }
0x8a: {  	s1 =	srdreg.scid  }
0x8b: {  	s0 =	sand.u32 $0x1, s1  }
0x8c: {  	s17 =	sshll.u32 s0, $0xA;
	s2 =	sadd.s32 s3, s2  }
0x8d: {  	s2 =	sadd.s32 s2, s17  }
0x8e: {  	[smem:$0x3FBE] =	sst s2  }
0x8f: {  	_ = 	snop  }
0x90: {  	(tm) =	ssettm $0x1  }
0x91: {  	s18 =	sld [smem:$0x3FFB];
	_ =	sdelay $0x3  }
0x92: {  	_ =	strace s18  }
0x93: {  	s2 =	sld [smem:$0x3FFC];
	_ =	sdelay $0x3  }
0x94: {  	_ =	strace s2  }
0x95: {  	s2 =	sld [smem:$0x3FFD];
	_ =	sdelay $0x3  }
0x96: {  	_ =	strace s2  }
0x97: {  	_ =	strace $0x8FFFFFFF  }
0x98: {  	s19 =	sld [smem:$0x3FDB];
	_ =	sdelay $0x1  }
0x99: {  	s20 =	simm.s32 $_scs_section_size  }
0x9a: {  	s4 =	simm.s32 $_size__tile_overlayer_lowered;
	s5 =	simm.s32 $_tile_overlayer_lowered  }
0x9b: {  	s6 =	simm.s32 $0x1BFF;
	s21 =	sshll.u32 s5, $0x1;
	s3 =	sadd.s32 s20, s19  }
0x9c: {  	s22 =	simm.s32 $0x0;
	s4 =	sshll.u32 s4, $0x1;
	s5 =	sadd.s32 s21, s3  }
0x9d: {  	[timem:s22], [sflag:s6] =	dma.local [hbm:s5], s4  }
0x9e: {  	_ =	swait.ge [sflag:s6], s4  }
0x9f: {  	s4 =	ssub.s32 $0x0, s4;
	[sflag:s6] =	ssyncset.done $0x0  }
0xa0: {  	[sflag:s6] =	ssyncadd.s32 s4;
	_ =	sdelay $0x1  }
0xa1: {  	s23 =	simm.s32 $0x1B8B  }
0xa2: {  	_ =	swait.ge [sflag:s23], $0x1  }
0xa3: {  	[sflag:s23] =	ssyncset.done $0x0  }
0xa4: {  	[sflag:s23] =	ssyncadd.s32 $0xFFFFFFFF  }
0xa5: {  	s4 =	sld [smem:$0x0]  }
0xa6: {  	s5 =	sand.u32 $0xFFFFFFFE, s1  }
0xa7: {  	p0 =	sne.s32 s1, s5  }
0xa8: {  	s5 =	sshll.u32 @p0 s5, $0xE  }
0xa9: {  	s5 =	sadd.s32 @p0 $0x11B8D, s5;
	s6 =	sshll.u32 @p0 s4, $0x11  }
0xaa: {  	s5 =	sor.u32 @p0 s6, s5  }
0xab: {  	[sflag:s5] =	ssyncadd.remote.s32 @p0 $0x1;
	_ =	sdelay $0x1  }
0xac: {  	s5 =	simm.s32 @p0 $0x1B8D  }
0xad: {  	_ =	swait.eq @p0 [sflag:s5], $0x1  }
0xae: {  	[sflag:s5] =	ssyncadd.s32 @p0 $0xFFFFFFFF  }
0xaf: {  	s6 =	sshll.u32 @!p0 s1, $0xE  }
0xb0: {  	s6 =	sor.u32 @!p0 $0x4000, s6;
	s5 =	simm.s32 @!p0 $0x1B8D  }
0xb1: {  	s4 =	sshll.u32 @!p0 s4, $0x11;
	s6 =	sadd.s32 @!p0 $0x11B8D, s6;
	_ =	swait.eq @!p0 [sflag:s5], $0x1  }
0xb2: {  	s4 =	sor.u32 @!p0 s4, s6;
	[sflag:s5] =	ssyncadd.s32 @!p0 $0xFFFFFFFF  }
0xb3: {  	s25 =	simm.s32 $0x1B8E;
	s24 =	sld [smem:$0x3FFE];
	[sflag:s4] =	ssyncadd.remote.s32 @!p0 $0x1  }
0xb4: {  	s26 =	simm.s32 $execute0_lowered;
	[smem:$0x3FD2] =	sst s25  }
0xb5: {  	s5 =	sshll.u32 s26, $0x1;
	_ =	strace $0x80000049;
	[dreg:$0x1] =	wrdreg $0xFFFFFFFF  }
0xb6: {  	s28 =	simm.s32 $_size_execute0_lowered;
	s3 =	sadd.s32 s3, s5;
	[dreg:$0x0] =	wrdreg $0x0  }
0xb7: {  	s5 =	sshll.u32 s28, $0x1;
	[dreg:$0x2] =	wrdreg s3  }
0xb8: {  	[dreg:$0x3] =	wrdreg s5  }
0xb9: {  	[dreg:$0x4] =	wrdreg $0xC0  }
0xba: {  	_ =	task [dreg:s22], $0x5FFFF  }
0xbb: {  	[dreg:$0x1] =	wrdreg $0xFFFFFFFF  }
0xbc: {  	[dreg:$0x0] =	wrdreg $0x60  }
0xbd: {  	[dreg:$0x2] =	wrdreg s24  }
0xbe: {  	[dreg:$0x3] =	wrdreg $0x68000  }
0xbf: {  	[dreg:$0x4] =	wrdreg $0x9  }
0xc0: {  	_ =	task.clear_ibuf [dreg:s22], $0x5FFFF;
	_ =	strace $0x90000049  }
0xc1: {  	s29 =	simm.s32 $0x9;
	_ =	strace $0x8000004B  }
0xc2: {  	_ =	swait.ge [sflag:s29], $0x1  }
0xc3: {  	[sflag:s29] =	ssyncadd.s32 $0xFFFFFFFF  }
0xc4: {  	_ =	strace $0x9000004B  }
0xc5: {  	_ =	sfence  }
0xc6: {  	s30 =	sld [smem:$0x0];
	_ =	sdelay $0x2  }
0xc7: {  	s31 =	sshll.u32 s1, $0xD;
	s1 =	sshrl.u32 s1, $0x2  }
0xc8: {  	s4 =	sand.u32 $0x4000, s31;
	s1 =	sadd.s32 s1, s30  }
0xc9: {  	s0 =	sor.u32 s4, s0;
	s1 =	sshll.u32 s1, $0x11  }
0xca: {  	s0 =	sor.u32 s1, s0  }
0xcb: {  	s0 =	sadd.s32 $0x8F2B, s0  }
0xcc: {  	[sflag:s0] =	ssyncadd.remote.s32 $0x1  }
0xcd: {  	_ =	sfence.sel $0xFFFF  }
0xce: {  	[dreg:$0x0] =	wrdreg $0xFFFFFFFF;
	(pc) =	sbr.abs _section_cstart, $3  }
0xcf: {  	[dreg:$0x1] =	wrdreg $0xFFFFFFFF  }
0xd0: {  	_ =	task.clear_ibuf [dreg:s22], $0x2FFFF;
	_ =	strace $0x9FFFFFFF  }
0xd1: {  	(tm) =	ssettm $0x7FFFFFFF  }
tec
execute0_lowered:
.L_overlay_start_1:
0x0: {  	(tag) =	ssettag $0x1  }
0x1: {  	s7 =	rddreg [dreg:$0x0]  }
0x2: {  	s0 =	srdreg.scid;
	s2 =	rddreg [dreg:$0x1]  }
0x3: {  	s3 =	simm.s32 $0x0;
	s12 =	simm.s32 $0x2800;
	s6 =	sand.u32 $0x1, s0  }
0x4: {  	s13 =	simm.s32 $0x80;
	s0 =	stileid.u32;
	s5 =	smul.u32 $0x13C000, s6  }
0x5: {  	s14 =	simm.s32 $0x0;
	[smem:$0x7FF] =	sst s3;
	s8 =	smul.u32 $0x13C00, s0  }
0x6: {  	s1 =	sshll.u32 s6, $0x4;
	s10 =	smul.u32 $0x4F000, s0;
	s6 =	ssub.s32 $0x2, s6  }
0x7: {  	s31 =	sshll.u32 s0, $0x6;
	s1 =	sor.u32 s0, s1;
	s30 =	sshrl.u32 s6, $0x1  }
0x8: {  	s4 =	smul.u32 $0x500, s1;
	s1 =	rddreg [dreg:$0x2];
	_ =	strace $0x8000004A  }
0x9: {  	s8 =	sadd.s32 s8, s5;
	s5 =	sadd.s32 $0x78400, s7;
	s10 =	sshrl.u32 s10, $0x2  }
0xa: {  	s11 =	ssub.s32 s6, s30;
	s6 =	sor.u32 $0x1C01, s31;
	s8 =	sshrl.u32 s8, $0x3  }
0xb: {  	s10 =	sadd.s32 s10, s2;
	s9 =	sadd.s32 s4, s7;
	s4 =	sadd.s32 $0x26C00, s7  }
0xc: {  	s8 =	sadd.s32 s8, s7;
	s10 =	sshrl.u32 s10, $0x3;
	s7 =	sadd.s32 $0x2C00, s9  }
0xd: {  	s8 =	sadd.s32 $0x78C00, s8;
	s9 =	smax.u32 s11, $0x1;
	s11 =	simm.s32 $0x1  }
.LBB2_1:
0xe: {  	[spmem:s10], [sflag:s6] =	dma.local [hbm:s4], $0x2780  }
0xf: {  	_ =	swait.ge [sflag:s11], $0x2780  }
0x10: {  	[sflag:s11] =	ssyncset.done $0x0  }
0x11: {  	[sflag:s11] =	ssyncadd.s32 $0xFFFFD880  }
0x12: {  	[tilespmem:s12], [sflag:$0x1] =	stream.linear.gather [hbm4b:s5+s3], $0x4000, $0x38;
	[tilespmem:$0x1A400] =	vst v63  }
0x13: {  	_ =	swait.ge [sflag:s11], $0x4000  }
0x14: {  	[sflag:s11] =	ssyncset.done $0x0  }
0x15: {  	[sflag:s11] =	ssyncadd.s32 $0xFFFFC000  }
0x16: {  	[tilespmem:s3], [sflag:$0x1] =	stream.linear.gather [hbm4b:s7+s3], $0x2800, $0x38;
	[tilespmem:$0x1A400] =	vst v63  }
0x17: {  	_ =	swait.ge [sflag:s11], $0x2800  }
0x18: {  	[sflag:s11] =	ssyncset.done $0x0  }
0x19: {  	[sflag:s11] =	ssyncadd.s32 $0xFFFFD800  }
0x1a: {  	s15 =	simm.s32 $0x0;
	[bflag:$0x0] =	sbarrier.arrive $0xFFFF  }
0x1b: {  	[spmem:s2] =	stream.indirect.scatter.add.f32 [tilespmem:s12], [sflag:$0x1], $0x80, s15, s13, $0xb8;
	[tilespmem:$0x1A400] =	vst v63  }
0x1c: {  	_ =	swait.ge [sflag:s11], $0x4000  }
0x1d: {  	s15 =	simm.s32 $0x200;
	[sflag:s11] =	ssyncset.done $0x0  }
.LBB2_2:
0x1e: {  	s16 =	sshra.s32 s15, $0x2;
	[sflag:s11] =	ssyncadd.s32 $0xFFFFC000;
	p0 =	sne.s32 s15, $0x9E00  }
0x1f: {  	[spmem:s2] =	stream.indirect.scatter.add.f32 [tilespmem:s12], [sflag:$0x1], $0x80, s16, s13, $0xb8;
	[tilespmem:$0x1A400] =	vst v63  }
.Ltmp0:
0x20: {  	_ = 	snop;
	(pc) =	sbr.rel @p0 .LBB2_2-.Ltmp0, $4  }
0x21: {  	_ = 	snop  }
0x22: {  	s15 =	sadd.s32 $0x200, s15  }
0x23: {  	_ =	swait.ge [sflag:s11], $0x4000  }
0x24: {  	[sflag:s11] =	ssyncset.done $0x0  }
0x25: {  	s14 =	sadd.s32 $0x1, s14  }
0x26: {  	[sflag:s11] =	ssyncadd.s32 $0xFFFFC000;
	p0 =	sne.s32 s14, s9  }
.Ltmp1:
0x27: {  	[bflag:$0x0] =	sbarrier.arrive $0xFFFF;
	(pc) =	sbr.rel @p0 .LBB2_1-.Ltmp1, $4  }
0x28: {  	[hbm:s8], [sflag:s6] =	dma.local [spmem:s10], $0x2780  }
0x29: {  	_ =	swait.ge [sflag:s11], $0x2780  }
0x2a: {  	[sflag:s11] =	ssyncset.done $0x0  }
0x2b: {  	[sflag:s11] =	ssyncadd.s32 $0xFFFFD880  }
0x2c: {  	_ =	sfence.sel $0x180000  }
0x2d: {  	[bflag:$0x0] =	sbarrier.arrive $0xFFFF  }
0x2e: {  	p0 =	sne.s32 s0, $0x0;
	_ =	strace $0x9000004A  }
0x2f: {  	s0 =	sadd.s32 @!p0 $0x100000, s1;
	[bflag:$0x2] =	sbarrier.arrive $0xFFFF  }
0x30: {  	[sflag:s0] =	ssyncadd.tile.s32 @!p0 $0x1;
	_ =	shalt  }
.Lfunc_end2:
_tile_overlayer_lowered:
.L_overlay_start_2:
0x31: {  	(tag) =	ssettag $0x2  }
0x32: {  	s0 =	rddreg [dreg:$0x0];
	s2 =	stileid.u32  }
0x33: {  	s1 =	rddreg [dreg:$0x1];
	p0 =	sne.s32 s2, $0x0  }
0x34: {  	s3 =	rddreg [dreg:$0x2];
	[bflag:$0x3] =	sbarrier.arrive $0xFFFF;
	s2 =	simm.s32 @!p0 $0x1C01  }
0x35: {  	[timem:s3], [sflag:s2] =	dma.local @!p0 [hbm:s0], s1  }
0x36: {  	s0 =	simm.s32 @!p0 $0x1  }
0x37: {  	_ =	swait.ge @!p0 [sflag:s0], s1  }
0x38: {  	s1 =	ssub.s32 @!p0 $0x0, s1;
	[sflag:s0] =	ssyncset.done @!p0 $0x0  }
0x39: {  	[sflag:s0] =	ssyncadd.s32 @!p0 s1  }
0x3a: {  	[bflag:$0x3] =	sbarrier.arrive $0xFFFF  }
0x3b: {  	_ =	shalt  }

</sc_bundles>
